<compile_context>
chip_gen: v7x
topology: tpu7x:2x2x1
jax: 0.10.2.dev20260603
libtpu: 0.0.44.dev20260713+nightly
codegen_flags: <defaults>
</compile_context>

<pallas_src>
import functools
import math

import jax
import jax.numpy as jnp
from jax import lax
from jax.experimental import pallas as pl
from jax.experimental.pallas import tpu as pltpu
from jax.experimental.pallas import tpu_sc as plsc

_E = 64
_CAP_FACTOR = 1.25
_CHUNK = 512
_NC, _NS = 2, 16
_NW = _NC * _NS
_GW = 128


def _gelu_exact(x):
    return 0.5 * x * (1.0 + lax.erf(x * 0.7071067811865476))


def _router_body(cap, flat_ref, wg_ref, dst_ref, coef_ref):
    t_total = flat_ref.shape[0]
    n_e = wg_ref.shape[0]
    nchunks = t_total // _CHUNK
    tri = (lax.broadcasted_iota(jnp.int32, (_CHUNK, _CHUNK), 0)
           >= lax.broadcasted_iota(jnp.int32, (_CHUNK, _CHUNK), 1)
           ).astype(jnp.float32)
    iota_e = lax.broadcasted_iota(jnp.int32, (_CHUNK, n_e), 1)

    logits = lax.dot_general(flat_ref[:, :], wg_ref[:, :],
                             (((1,), (1,)), ((), ())),
                             preferred_element_type=jnp.float32)
    mx = jnp.max(logits, axis=1, keepdims=True)
    gate_all = 1.0 / jnp.sum(jnp.exp(logits - mx), axis=1, keepdims=True)
    eid_all = jnp.min(
        jnp.where(logits >= mx,
                  lax.broadcasted_iota(jnp.int32, (t_total, n_e), 1), n_e),
        axis=1, keepdims=True)

    offs = jnp.zeros((1, n_e), jnp.float32)
    for c in range(nchunks):
        sl = slice(c * _CHUNK, (c + 1) * _CHUNK)
        eid, gate = eid_all[sl], gate_all[sl]
        onehot = (iota_e == eid).astype(jnp.float32)
        csum = lax.dot_general(tri, onehot, (((1,), (0,)), ((), ())),
                               preferred_element_type=jnp.float32) + offs
        pos = jnp.sum(csum * onehot, axis=1, keepdims=True).astype(jnp.int32) - 1
        keep = pos < cap
        dst_ref[sl, :] = eid * (cap + 1) + jnp.where(keep, pos, cap)
        coef_ref[sl, :] = jnp.broadcast_to(
            jnp.where(keep, gate, 0.0), (_CHUNK, _GW))
        offs = offs + jnp.sum(onehot, axis=0, keepdims=True)


def _router(flat, wg, cap):
    t_total = flat.shape[0]
    return pl.pallas_call(
        functools.partial(_router_body, cap),
        out_shape=[
            jax.ShapeDtypeStruct((t_total, 1), jnp.int32),
            jax.ShapeDtypeStruct((t_total, _GW), jnp.float32),
        ],
    )(flat, wg)


def _dispatch_sc(flat, coef16, dst_idx, cap):
    t_total, d = flat.shape
    tpw = t_total // _NW
    mesh = plsc.VectorSubcoreMesh(core_axis_name="c", subcore_axis_name="s")

    @functools.partial(
        pl.kernel, mesh=mesh,
        out_type=[
            jax.ShapeDtypeStruct((_E * (cap + 1), d), jnp.float32),
            jax.ShapeDtypeStruct((_E * (cap + 1), _GW), jnp.float32),
        ],
        scratch_types=[
            pltpu.VMEM((tpw,), jnp.int32),
            pltpu.VMEM((tpw, d), jnp.float32),
            pltpu.VMEM((tpw, _GW), jnp.float32),
            pltpu.SemaphoreType.DMA,
            pltpu.SemaphoreType.DMA,
        ],
    )
    def run(flat_hbm, coef_hbm, idx_hbm, disp_hbm, gslot_hbm,
            idx_v, rows_v, coef_v, sem, sem2):
        wid = lax.axis_index("s") * _NC + lax.axis_index("c")
        base = wid * tpw
        pltpu.sync_copy(idx_hbm.at[pl.ds(base, tpw)], idx_v)
        pltpu.sync_copy(flat_hbm.at[pl.ds(base, tpw)], rows_v)
        pltpu.sync_copy(coef_hbm.at[pl.ds(base, tpw)], coef_v)
        cp1 = pltpu.async_copy(rows_v, disp_hbm.at[idx_v], sem)
        cp2 = pltpu.async_copy(coef_v, gslot_hbm.at[idx_v], sem2)
        cp1.wait()
        cp2.wait()

    return run(flat, coef16, dst_idx)


def _combine_sc(eout, dst_idx):
    n_rows, d = eout.shape
    t_total = dst_idx.shape[0]
    tpw = t_total // _NW
    mesh = plsc.VectorSubcoreMesh(core_axis_name="c", subcore_axis_name="s")

    @functools.partial(
        pl.kernel, mesh=mesh,
        out_type=jax.ShapeDtypeStruct((t_total, d), jnp.float32),
        scratch_types=[
            pltpu.VMEM((tpw,), jnp.int32),
            pltpu.VMEM((tpw, d), jnp.float32),
            pltpu.SemaphoreType.DMA,
        ],
    )
    def run(eout_hbm, idx_hbm, out_hbm, idx_v, rows_v, sem):
        wid = lax.axis_index("s") * _NC + lax.axis_index("c")
        base = wid * tpw
        pltpu.sync_copy(idx_hbm.at[pl.ds(base, tpw)], idx_v)
        pltpu.async_copy(eout_hbm.at[idx_v], rows_v, sem).wait()
        pltpu.sync_copy(rows_v, out_hbm.at[pl.ds(base, tpw)])

    return run(eout, dst_idx)


def _ffn_body(cap, disp_ref, w1_ref, b1_ref, w2_ref, b2_ref, g_ref, out_ref):
    x = disp_ref[0, 0:cap, :]
    h = lax.dot_general(x, w1_ref[0, :, :], (((1,), (0,)), ((), ())),
                        preferred_element_type=jnp.float32)
    h = _gelu_exact(h + b1_ref[0, :, :])
    y = lax.dot_general(h, w2_ref[0, :, :], (((1,), (0,)), ((), ())),
                        preferred_element_type=jnp.float32)

    @pl.when(pl.program_id(1) == 0)
    def _first():
        out_ref[0, 0:cap, :] = y
        out_ref[0, cap:cap + 1, :] = jnp.zeros((1, out_ref.shape[2]),
                                               jnp.float32)

    @pl.when(pl.program_id(1) == 1)
    def _last():
        out_ref[0, 0:cap, :] = (
            (out_ref[0, 0:cap, :] + y + b2_ref[0, :, :])
            * g_ref[0, 0:cap, 0:1])


def _ffn(disp, w1, b1, w2, b2, gslot, cap):
    e, _, d = disp.shape
    hid = w1.shape[2]
    hh = hid // 2
    return pl.pallas_call(
        functools.partial(_ffn_body, cap),
        grid=(e, 2),
        in_specs=[
            pl.BlockSpec((1, cap + 1, d), lambda i, k: (i, 0, 0)),
            pl.BlockSpec((1, d, hh), lambda i, k: (i, 0, k)),
            pl.BlockSpec((1, 1, hh), lambda i, k: (i, 0, k)),
            pl.BlockSpec((1, hh, d), lambda i, k: (i, k, 0)),
            pl.BlockSpec((1, 1, d), lambda i, k: (i, 0, 0)),
            pl.BlockSpec((1, cap + 1, _GW), lambda i, k: (i, 0, 0)),
        ],
        out_specs=pl.BlockSpec((1, cap + 1, d), lambda i, k: (i, 0, 0)),
        out_shape=jax.ShapeDtypeStruct((e, cap + 1, d), jnp.float32),
    )(disp, w1, b1, w2, b2, gslot)


def kernel(hidden_states, Wg, W1, b1, W2, b2):
    bq, sq, d = hidden_states.shape
    t_total = bq * sq
    e, _, hid = W1.shape
    cap = max(1, math.ceil(_CAP_FACTOR * t_total / e))
    flat = hidden_states.reshape(t_total, d)

    dst, coef16 = _router(flat, Wg, cap)
    disp, gslot = _dispatch_sc(flat, coef16, dst.reshape(t_total), cap)
    eout = _ffn(disp.reshape(e, cap + 1, d), W1, b1.reshape(e, 1, hid),
                W2, b2.reshape(e, 1, d), gslot.reshape(e, cap + 1, _GW), cap)
    out = _combine_sc(eout.reshape(e * (cap + 1), d), dst.reshape(t_total))
    return out.reshape(bq, sq, d)

# --- scband reference (transcript-rebuilt; emitter-appended) ---
"""Pipeline reference for scband-block-46471546143558 (READ-ONLY COPY).

The authoritative reference and input builder live on the scoring server;
editing this copy changes nothing except your own understanding.
"""

import math
import jax, jax.numpy as jnp
import numpy as np

B, S, D = 2, 2048, 768
E, TOPK = 64, 1
CAP_FACTOR = 1.25
HID = 4 * D


def setup_inputs(seed: int = 0) -> dict:
    key = jax.random.key(seed)
    ks = jax.random.split(key, 6)
    hidden_states = jax.random.normal(ks[0], (B, S, D), dtype=jnp.float32)
    Wg = jax.random.normal(ks[1], (E, D), dtype=jnp.float32) * 0.02
    W1 = jax.random.normal(ks[2], (E, D, HID), dtype=jnp.float32) * 0.02
    b1 = jnp.zeros((E, HID), dtype=jnp.float32)
    W2 = jax.random.normal(ks[3], (E, HID, D), dtype=jnp.float32) * 0.02
    b2 = jnp.zeros((E, D), dtype=jnp.float32)
    return {"hidden_states": hidden_states, "Wg": Wg, "W1": W1, "b1": b1, "W2": W2, "b2": b2}


def reference(hidden_states, Wg, W1, b1, W2, b2):
    # SparseMoE.forward (eval mode: no router noise, no dropout)
    Bq, Sq, d = hidden_states.shape
    T = Bq * Sq
    flat = hidden_states.reshape(T, d)

    # NoisyTopkRouter (eval): logits -> softmax -> topk
    logits = (flat @ Wg.T).astype(jnp.float32)
    gates = jax.nn.softmax(logits, axis=-1)
    top_k_gates, top_k_indices = jax.lax.top_k(gates, TOPK)

    capacity = max(1, math.ceil(CAP_FACTOR * T / E))
    tok = jnp.arange(T)

    # expert_mask via scatter of topk indices
    expert_mask = jnp.zeros((T, E), dtype=bool).at[tok[:, None], top_k_indices].set(True)
    route_cumsum = jnp.cumsum(expert_mask.astype(jnp.int32), axis=0)
    route_position = route_cumsum * expert_mask - 1
    keep_mask = (route_position < capacity) & expert_mask

    # gather per-k keep flags and slot positions
    pass_cap_k = keep_mask[tok[:, None], top_k_indices]          # [T, K]
    pos_k = route_position[tok[:, None], top_k_indices]         # [T, K]

    t_flat = jnp.repeat(tok, TOPK)                               # [T*K]
    e_flat = top_k_indices.reshape(-1)                           # [T*K]
    valid = pass_cap_k.reshape(-1)                               # [T*K]
    p_flat = jnp.where(valid, pos_k.reshape(-1), capacity)       # dropped -> overflow slot
    g_flat = top_k_gates.reshape(-1)

    # dispatch tokens to [E, capacity(+overflow), d]
    dispatch = jnp.zeros((E, capacity + 1, d), dtype=flat.dtype).at[e_flat, p_flat].add(flat[t_flat])
    disp = dispatch[:, :capacity, :]

    # experts: Linear -> GELU (exact) -> Linear (dropout is identity in eval)
    h = jax.nn.gelu(jnp.einsum('ecd,edf->ecf', disp, W1) + b1[:, None, :], approximate=False)
    expert_out = jnp.einsum('ecf,efd->ecd', h, W2) + b2[:, None, :]

    # combine: scatter-add gated expert outputs back to tokens
    p_gather = jnp.minimum(p_flat, capacity - 1)
    gathered = expert_out[e_flat, p_gather] * (valid.astype(flat.dtype) * g_flat)[:, None]
    out = jnp.zeros((T, d), dtype=flat.dtype).at[t_flat].add(gathered)
    return out.reshape(Bq, Sq, d)

if __name__ == "__main__":
    import jax
    _d = setup_inputs()
    print(jax.jit(kernel)(*tuple(_d.values())))

</pallas_src>

<mosaic_0001>
#map = affine_map<(d0, d1) -> (0, 0)>
#map1 = affine_map<(d0, d1) -> (0)>
module attributes {stable_mosaic.version = 14 : i64} {
  func.func @run(%arg0: i32, %arg1: i32, %arg2: memref<4096x768xf32, #tpu.memory_space<hbm>>, %arg3: memref<4096x128xf32, #tpu.memory_space<hbm>>, %arg4: memref<4096xi32, #tpu.memory_space<hbm>>, %arg5: memref<5184x768xf32, #tpu.memory_space<hbm>>, %arg6: memref<5184x128xf32, #tpu.memory_space<hbm>>, %arg7: memref<128xi32, #tpu.memory_space<vmem>>, %arg8: memref<128x768xf32, #tpu.memory_space<vmem>>, %arg9: memref<128x128xf32, #tpu.memory_space<vmem>>, %arg10: memref<!tpu.dma_semaphore, #tpu.memory_space<semaphore_mem>>, %arg11: memref<!tpu.dma_semaphore, #tpu.memory_space<semaphore_mem>>) attributes {dimension_semantics = [#tpu.dimension_semantics<core_parallel>, #tpu.dimension_semantics<subcore_parallel>], iteration_bounds = array<i64: 2, 16>, scalar_prefetch = 0 : i64, scratch_operands = 5 : i64, tpu.core_type = #tpu.core_type<sc_vector_subcore>, window_params = [{transform_indices = #map}, {transform_indices = #map}, {transform_indices = #map1}, {transform_indices = #map}, {transform_indices = #map}]} {
    %mul3A = arith.constant 2 : i32
    %mul3A_0 = arith.muli %arg1, %mul3A : i32
    %add3A = arith.addi %mul3A_0, %arg0 : i32
    %mul3A_1 = arith.constant 128 : i32
    %mul3A_2 = arith.muli %add3A, %mul3A_1 : i32
    "tpu.region"() ({
      %run_scoped3A = tpu.sem_alloc : memref<!tpu.dma_semaphore, #tpu.memory_space<semaphore_mem>>
      %dma_start3A_13 = tpu.memref_slice %arg4[%mul3A_2] : memref<4096xi32, #tpu.memory_space<hbm>> -> memref<128xi32, #tpu.memory_space<hbm>>
      %dma_start3A_14 = tpu.memref_slice %arg4[%mul3A_2] : memref<4096xi32, #tpu.memory_space<hbm>> -> memref<128xi32, #tpu.memory_space<hbm>>
      tpu.enqueue_dma source(%dma_start3A_14 : memref<128xi32, #tpu.memory_space<hbm>>) target(%arg7 : memref<128xi32, #tpu.memory_space<vmem>>) target_semaphore(%run_scoped3A : memref<!tpu.dma_semaphore, #tpu.memory_space<semaphore_mem>>)
      %dma_wait3A_15 = tpu.memref_slice %arg4[%mul3A_2] : memref<4096xi32, #tpu.memory_space<hbm>> -> memref<128xi32, #tpu.memory_space<hbm>>
      %dma_wait3A_16 = tpu.memref_slice %arg4[%mul3A_2] : memref<4096xi32, #tpu.memory_space<hbm>> -> memref<128xi32, #tpu.memory_space<hbm>>
      tpu.wait_dma2 semaphore(%run_scoped3A : memref<!tpu.dma_semaphore, #tpu.memory_space<semaphore_mem>>) src(%dma_wait3A_16 : memref<128xi32, #tpu.memory_space<hbm>>) dst(%arg7 : memref<128xi32, #tpu.memory_space<vmem>>)
      tpu.yield
    }) : () -> ()
    "tpu.region"() ({
      %run_scoped3A = tpu.sem_alloc : memref<!tpu.dma_semaphore, #tpu.memory_space<semaphore_mem>>
      %dma_start3A_13 = arith.constant 0 : i32
      %dma_start3A_14 = tpu.memref_slice %arg2[%mul3A_2, %dma_start3A_13] : memref<4096x768xf32, #tpu.memory_space<hbm>> -> memref<128x768xf32, #tpu.memory_space<hbm>>
      %dma_start3A_15 = arith.constant 0 : i32
      %dma_start3A_16 = tpu.memref_slice %arg2[%mul3A_2, %dma_start3A_15] : memref<4096x768xf32, #tpu.memory_space<hbm>> -> memref<128x768xf32, #tpu.memory_space<hbm>>
      tpu.enqueue_dma source(%dma_start3A_16 : memref<128x768xf32, #tpu.memory_space<hbm>>) target(%arg8 : memref<128x768xf32, #tpu.memory_space<vmem>>) target_semaphore(%run_scoped3A : memref<!tpu.dma_semaphore, #tpu.memory_space<semaphore_mem>>)
      %dma_wait3A_17 = arith.constant 0 : i32
      %dma_wait3A_18 = tpu.memref_slice %arg2[%mul3A_2, %dma_wait3A_17] : memref<4096x768xf32, #tpu.memory_space<hbm>> -> memref<128x768xf32, #tpu.memory_space<hbm>>
      %dma_wait3A_19 = arith.constant 0 : i32
      %dma_wait3A_20 = tpu.memref_slice %arg2[%mul3A_2, %dma_wait3A_19] : memref<4096x768xf32, #tpu.memory_space<hbm>> -> memref<128x768xf32, #tpu.memory_space<hbm>>
      tpu.wait_dma2 semaphore(%run_scoped3A : memref<!tpu.dma_semaphore, #tpu.memory_space<semaphore_mem>>) src(%dma_wait3A_20 : memref<128x768xf32, #tpu.memory_space<hbm>>) dst(%arg8 : memref<128x768xf32, #tpu.memory_space<vmem>>)
      tpu.yield
    }) : () -> ()
    "tpu.region"() ({
      %run_scoped3A = tpu.sem_alloc : memref<!tpu.dma_semaphore, #tpu.memory_space<semaphore_mem>>
      %dma_start3A_13 = arith.constant 0 : i32
      %dma_start3A_14 = tpu.memref_slice %arg3[%mul3A_2, %dma_start3A_13] : memref<4096x128xf32, #tpu.memory_space<hbm>> -> memref<128x128xf32, #tpu.memory_space<hbm>>
      %dma_start3A_15 = arith.constant 0 : i32
      %dma_start3A_16 = tpu.memref_slice %arg3[%mul3A_2, %dma_start3A_15] : memref<4096x128xf32, #tpu.memory_space<hbm>> -> memref<128x128xf32, #tpu.memory_space<hbm>>
      tpu.enqueue_dma source(%dma_start3A_16 : memref<128x128xf32, #tpu.memory_space<hbm>>) target(%arg9 : memref<128x128xf32, #tpu.memory_space<vmem>>) target_semaphore(%run_scoped3A : memref<!tpu.dma_semaphore, #tpu.memory_space<semaphore_mem>>)
      %dma_wait3A_17 = arith.constant 0 : i32
      %dma_wait3A_18 = tpu.memref_slice %arg3[%mul3A_2, %dma_wait3A_17] : memref<4096x128xf32, #tpu.memory_space<hbm>> -> memref<128x128xf32, #tpu.memory_space<hbm>>
      %dma_wait3A_19 = arith.constant 0 : i32
      %dma_wait3A_20 = tpu.memref_slice %arg3[%mul3A_2, %dma_wait3A_19] : memref<4096x128xf32, #tpu.memory_space<hbm>> -> memref<128x128xf32, #tpu.memory_space<hbm>>
      tpu.wait_dma2 semaphore(%run_scoped3A : memref<!tpu.dma_semaphore, #tpu.memory_space<semaphore_mem>>) src(%dma_wait3A_20 : memref<128x128xf32, #tpu.memory_space<hbm>>) dst(%arg9 : memref<128x128xf32, #tpu.memory_space<vmem>>)
      tpu.yield
    }) : () -> ()
    %dma_start3A = arith.constant 0 : i32
    %dma_start3A_3 = arith.constant 0 : i32
    %dma_start3A_4 = tpu.memref_slice %arg5[%dma_start3A, %dma_start3A_3] : memref<5184x768xf32, #tpu.memory_space<hbm>> -> memref<5184x768xf32, #tpu.memory_space<hbm>>
    tpu.enqueue_indirect_dma source(%arg8 : memref<128x768xf32, #tpu.memory_space<vmem>>) target(%dma_start3A_4 : memref<5184x768xf32, #tpu.memory_space<hbm>>) offsets(%arg7 : memref<128xi32, #tpu.memory_space<vmem>>) semaphore(%arg10 : memref<!tpu.dma_semaphore, #tpu.memory_space<semaphore_mem>>)
    %dma_start3A_5 = arith.constant 0 : i32
    %dma_start3A_6 = arith.constant 0 : i32
    %dma_start3A_7 = tpu.memref_slice %arg6[%dma_start3A_5, %dma_start3A_6] : memref<5184x128xf32, #tpu.memory_space<hbm>> -> memref<5184x128xf32, #tpu.memory_space<hbm>>
    tpu.enqueue_indirect_dma source(%arg9 : memref<128x128xf32, #tpu.memory_space<vmem>>) target(%dma_start3A_7 : memref<5184x128xf32, #tpu.memory_space<hbm>>) offsets(%arg7 : memref<128xi32, #tpu.memory_space<vmem>>) semaphore(%arg11 : memref<!tpu.dma_semaphore, #tpu.memory_space<semaphore_mem>>)
    %dma_wait3A = arith.constant 0 : i32
    %dma_wait3A_8 = arith.constant 0 : i32
    %dma_wait3A_9 = tpu.memref_slice %arg5[%dma_wait3A, %dma_wait3A_8] : memref<5184x768xf32, #tpu.memory_space<hbm>> -> memref<5184x768xf32, #tpu.memory_space<hbm>>
    tpu.wait_indirect_dma semaphore(%arg10 : memref<!tpu.dma_semaphore, #tpu.memory_space<semaphore_mem>>) src(%arg8 : memref<128x768xf32, #tpu.memory_space<vmem>>) dst(%dma_wait3A_9 : memref<5184x768xf32, #tpu.memory_space<hbm>>)
    %dma_wait3A_10 = arith.constant 0 : i32
    %dma_wait3A_11 = arith.constant 0 : i32
    %dma_wait3A_12 = tpu.memref_slice %arg6[%dma_wait3A_10, %dma_wait3A_11] : memref<5184x128xf32, #tpu.memory_space<hbm>> -> memref<5184x128xf32, #tpu.memory_space<hbm>>
    tpu.wait_indirect_dma semaphore(%arg11 : memref<!tpu.dma_semaphore, #tpu.memory_space<semaphore_mem>>) src(%arg9 : memref<128x128xf32, #tpu.memory_space<vmem>>) dst(%dma_wait3A_12 : memref<5184x128xf32, #tpu.memory_space<hbm>>)
    return
  }
}

#map = affine_map<(d0, d1) -> (0, 0)>
#map1 = affine_map<(d0, d1) -> (0)>
module attributes {stable_mosaic.version = 14 : i64} {
  func.func @run(%arg0: i32, %arg1: i32, %arg2: memref<5184x768xf32, #tpu.memory_space<hbm>>, %arg3: memref<4096xi32, #tpu.memory_space<hbm>>, %arg4: memref<4096x768xf32, #tpu.memory_space<hbm>>, %arg5: memref<128xi32, #tpu.memory_space<vmem>>, %arg6: memref<128x768xf32, #tpu.memory_space<vmem>>, %arg7: memref<!tpu.dma_semaphore, #tpu.memory_space<semaphore_mem>>) attributes {dimension_semantics = [#tpu.dimension_semantics<core_parallel>, #tpu.dimension_semantics<subcore_parallel>], iteration_bounds = array<i64: 2, 16>, scalar_prefetch = 0 : i64, scratch_operands = 3 : i64, tpu.core_type = #tpu.core_type<sc_vector_subcore>, window_params = [{transform_indices = #map}, {transform_indices = #map1}, {transform_indices = #map}]} {
    %mul3A = arith.constant 2 : i32
    %mul3A_0 = arith.muli %arg1, %mul3A : i32
    %add3A = arith.addi %mul3A_0, %arg0 : i32
    %mul3A_1 = arith.constant 128 : i32
    %mul3A_2 = arith.muli %add3A, %mul3A_1 : i32
    "tpu.region"() ({
      %run_scoped3A = tpu.sem_alloc : memref<!tpu.dma_semaphore, #tpu.memory_space<semaphore_mem>>
      %dma_start3A_7 = tpu.memref_slice %arg3[%mul3A_2] : memref<4096xi32, #tpu.memory_space<hbm>> -> memref<128xi32, #tpu.memory_space<hbm>>
      %dma_start3A_8 = tpu.memref_slice %arg3[%mul3A_2] : memref<4096xi32, #tpu.memory_space<hbm>> -> memref<128xi32, #tpu.memory_space<hbm>>
      tpu.enqueue_dma source(%dma_start3A_8 : memref<128xi32, #tpu.memory_space<hbm>>) target(%arg5 : memref<128xi32, #tpu.memory_space<vmem>>) target_semaphore(%run_scoped3A : memref<!tpu.dma_semaphore, #tpu.memory_space<semaphore_mem>>)
      %dma_wait3A_9 = tpu.memref_slice %arg3[%mul3A_2] : memref<4096xi32, #tpu.memory_space<hbm>> -> memref<128xi32, #tpu.memory_space<hbm>>
      %dma_wait3A_10 = tpu.memref_slice %arg3[%mul3A_2] : memref<4096xi32, #tpu.memory_space<hbm>> -> memref<128xi32, #tpu.memory_space<hbm>>
      tpu.wait_dma2 semaphore(%run_scoped3A : memref<!tpu.dma_semaphore, #tpu.memory_space<semaphore_mem>>) src(%dma_wait3A_10 : memref<128xi32, #tpu.memory_space<hbm>>) dst(%arg5 : memref<128xi32, #tpu.memory_space<vmem>>)
      tpu.yield
    }) : () -> ()
    %dma_start3A = arith.constant 0 : i32
    %dma_start3A_3 = arith.constant 0 : i32
    %dma_start3A_4 = tpu.memref_slice %arg2[%dma_start3A, %dma_start3A_3] : memref<5184x768xf32, #tpu.memory_space<hbm>> -> memref<5184x768xf32, #tpu.memory_space<hbm>>
    tpu.enqueue_indirect_dma source(%dma_start3A_4 : memref<5184x768xf32, #tpu.memory_space<hbm>>) target(%arg6 : memref<128x768xf32, #tpu.memory_space<vmem>>) offsets(%arg5 : memref<128xi32, #tpu.memory_space<vmem>>) semaphore(%arg7 : memref<!tpu.dma_semaphore, #tpu.memory_space<semaphore_mem>>)
    %dma_wait3A = arith.constant 0 : i32
    %dma_wait3A_5 = arith.constant 0 : i32
    %dma_wait3A_6 = tpu.memref_slice %arg2[%dma_wait3A, %dma_wait3A_5] : memref<5184x768xf32, #tpu.memory_space<hbm>> -> memref<5184x768xf32, #tpu.memory_space<hbm>>
    tpu.wait_indirect_dma semaphore(%arg7 : memref<!tpu.dma_semaphore, #tpu.memory_space<semaphore_mem>>) src(%dma_wait3A_6 : memref<5184x768xf32, #tpu.memory_space<hbm>>) dst(%arg6 : memref<128x768xf32, #tpu.memory_space<vmem>>)
    "tpu.region"() ({
      %run_scoped3A = tpu.sem_alloc : memref<!tpu.dma_semaphore, #tpu.memory_space<semaphore_mem>>
      %dma_start3A_7 = arith.constant 0 : i32
      %dma_start3A_8 = tpu.memref_slice %arg4[%mul3A_2, %dma_start3A_7] : memref<4096x768xf32, #tpu.memory_space<hbm>> -> memref<128x768xf32, #tpu.memory_space<hbm>>
      %dma_start3A_9 = arith.constant 0 : i32
      %dma_start3A_10 = tpu.memref_slice %arg4[%mul3A_2, %dma_start3A_9] : memref<4096x768xf32, #tpu.memory_space<hbm>> -> memref<128x768xf32, #tpu.memory_space<hbm>>
      tpu.enqueue_dma source(%arg6 : memref<128x768xf32, #tpu.memory_space<vmem>>) target(%dma_start3A_10 : memref<128x768xf32, #tpu.memory_space<hbm>>) target_semaphore(%run_scoped3A : memref<!tpu.dma_semaphore, #tpu.memory_space<semaphore_mem>>)
      %dma_wait3A_11 = arith.constant 0 : i32
      %dma_wait3A_12 = tpu.memref_slice %arg4[%mul3A_2, %dma_wait3A_11] : memref<4096x768xf32, #tpu.memory_space<hbm>> -> memref<128x768xf32, #tpu.memory_space<hbm>>
      %dma_wait3A_13 = arith.constant 0 : i32
      %dma_wait3A_14 = tpu.memref_slice %arg4[%mul3A_2, %dma_wait3A_13] : memref<4096x768xf32, #tpu.memory_space<hbm>> -> memref<128x768xf32, #tpu.memory_space<hbm>>
      tpu.wait_dma2 semaphore(%run_scoped3A : memref<!tpu.dma_semaphore, #tpu.memory_space<semaphore_mem>>) src(%arg6 : memref<128x768xf32, #tpu.memory_space<vmem>>) dst(%dma_wait3A_14 : memref<128x768xf32, #tpu.memory_space<hbm>>)
      tpu.yield
    }) : () -> ()
    return
  }
}

module attributes {stable_mosaic.version = 14 : i64} {
  func.func @_router_body(%arg0: memref<4096x768xf32, #tpu.memory_space<vmem>>, %arg1: memref<64x768xf32, #tpu.memory_space<vmem>>, %arg2: memref<4096x1xi32, #tpu.memory_space<vmem>>, %arg3: memref<4096x128xf32, #tpu.memory_space<vmem>>) attributes {dimension_semantics = [], scalar_prefetch = 0 : i64, scratch_operands = 0 : i64, tpu.core_type = #tpu.core_type<tc>} {
    %iota3A = tpu.iota {dimensions = array<i32: 0>} : vector<512x512xi32>
    %iota3A_0 = tpu.iota {dimensions = array<i32: 1>} : vector<512x512xi32>
    %ge3A = arith.cmpi sge, %iota3A, %iota3A_0 : vector<512x512xi32>
    %convert_element_type3A = arith.extui %ge3A : vector<512x512xi1> to vector<512x512xi32>
    %convert_element_type3A_1 = arith.sitofp %convert_element_type3A : vector<512x512xi32> to vector<512x512xf32>
    %iota3A_2 = tpu.iota {dimensions = array<i32: 1>} : vector<512x64xi32>
    %get3A = arith.constant 0 : index
    %get3A_3 = arith.constant 0 : index
    %get3A_4 = vector.load %arg0[%get3A, %get3A_3] : memref<4096x768xf32, #tpu.memory_space<vmem>>, vector<4096x768xf32>
    %get3A_5 = arith.constant 0 : index
    %get3A_6 = arith.constant 0 : index
    %get3A_7 = vector.load %arg1[%get3A_5, %get3A_6] : memref<64x768xf32, #tpu.memory_space<vmem>>, vector<64x768xf32>
    %dot_general3A = arith.constant dense<0.000000e+00> : vector<4096x64xf32>
    %dot_general3A_8 = tpu.matmul %get3A_4, %get3A_7, %dot_general3A {dimension_numbers = #tpu.dot_dimension_numbers<[1], [1], [0], [0], [0, 0, 1, 0], [], []>, transpose_lhs_hint = false} : vector<4096x768xf32>, vector<64x768xf32>, vector<4096x64xf32> -> vector<4096x64xf32>
    %reduce_max3A = arith.constant dense<0xFF800000> : vector<4096xf32>
    %reduce_max3A_9 = vector.multi_reduction <maximumf>, %dot_general3A_8, %reduce_max3A [1] : vector<4096x64xf32> to vector<4096xf32>
    %broadcast_in_dim3A = vector.shape_cast %reduce_max3A_9 : vector<4096xf32> to vector<4096x1xf32>
    %sub3A = vector.broadcast %broadcast_in_dim3A : vector<4096x1xf32> to vector<4096x64xf32>
    %sub3A_10 = arith.subf %dot_general3A_8, %sub3A : vector<4096x64xf32>
    %exp3A = math.exp %sub3A_10 : vector<4096x64xf32>
    %reduce_sum3A = arith.constant dense<0.000000e+00> : vector<4096xf32>
    %reduce_sum3A_11 = vector.multi_reduction <add>, %exp3A, %reduce_sum3A [1] : vector<4096x64xf32> to vector<4096xf32>
    %broadcast_in_dim3A_12 = vector.shape_cast %reduce_sum3A_11 : vector<4096xf32> to vector<4096x1xf32>
    %div3A = arith.constant 1.000000e+00 : f32
    %div3A_13 = vector.broadcast %div3A : f32 to vector<4096x1xf32>
    %div3A_14 = arith.divf %div3A_13, %broadcast_in_dim3A_12 : vector<4096x1xf32>
    %ge3A_15 = vector.broadcast %broadcast_in_dim3A : vector<4096x1xf32> to vector<4096x64xf32>
    %ge3A_16 = arith.cmpf oge, %dot_general3A_8, %ge3A_15 : vector<4096x64xf32>
    %iota3A_17 = tpu.iota {dimensions = array<i32: 1>} : vector<4096x64xi32>
    %jit3A = arith.constant 64 : i32
    %broadcast_in_dim3A_18 = vector.broadcast %jit3A : i32 to vector<4096x64xi32>
    %select_n3A = arith.select %ge3A_16, %iota3A_17, %broadcast_in_dim3A_18 : vector<4096x64xi1>, vector<4096x64xi32>
    %reduce_min3A = arith.constant dense<2147483647> : vector<4096xi32>
    %reduce_min3A_19 = vector.multi_reduction <minsi>, %select_n3A, %reduce_min3A [1] : vector<4096x64xi32> to vector<4096xi32>
    %broadcast_in_dim3A_20 = vector.shape_cast %reduce_min3A_19 : vector<4096xi32> to vector<4096x1xi32>
    %broadcast_in_dim3A_21 = arith.constant 0.000000e+00 : f32
    %broadcast_in_dim3A_22 = vector.broadcast %broadcast_in_dim3A_21 : f32 to vector<1x64xf32>
    %slice3A = vector.extract_strided_slice %broadcast_in_dim3A_20 {offsets = [0, 0], sizes = [512, 1], strides = [1, 1]} : vector<4096x1xi32> to vector<512x1xi32>
    %slice3A_23 = vector.extract_strided_slice %div3A_14 {offsets = [0, 0], sizes = [512, 1], strides = [1, 1]} : vector<4096x1xf32> to vector<512x1xf32>
    %eq3A = vector.broadcast %slice3A : vector<512x1xi32> to vector<512x64xi32>
    %eq3A_24 = arith.cmpi eq, %iota3A_2, %eq3A : vector<512x64xi32>
    %convert_element_type3A_25 = arith.extui %eq3A_24 : vector<512x64xi1> to vector<512x64xi32>
    %convert_element_type3A_26 = arith.sitofp %convert_element_type3A_25 : vector<512x64xi32> to vector<512x64xf32>
    %dot_general3A_27 = arith.constant dense<0.000000e+00> : vector<512x64xf32>
    %dot_general3A_28 = tpu.matmul %convert_element_type3A_1, %convert_element_type3A_26, %dot_general3A_27 {dimension_numbers = #tpu.dot_dimension_numbers<[1], [0], [0], [1], [0, 0, 1, 1], [], []>, transpose_lhs_hint = false} : vector<512x512xf32>, vector<512x64xf32>, vector<512x64xf32> -> vector<512x64xf32>
    %add3A = vector.broadcast %broadcast_in_dim3A_22 : vector<1x64xf32> to vector<512x64xf32>
    %add3A_29 = arith.addf %dot_general3A_28, %add3A : vector<512x64xf32>
    %mul3A = arith.mulf %add3A_29, %convert_element_type3A_26 : vector<512x64xf32>
    %reduce_sum3A_30 = arith.constant dense<0.000000e+00> : vector<512xf32>
    %reduce_sum3A_31 = vector.multi_reduction <add>, %mul3A, %reduce_sum3A_30 [1] : vector<512x64xf32> to vector<512xf32>
    %broadcast_in_dim3A_32 = vector.shape_cast %reduce_sum3A_31 : vector<512xf32> to vector<512x1xf32>
    %convert_element_type3A_33 = arith.fptosi %broadcast_in_dim3A_32 : vector<512x1xf32> to vector<512x1xi32>
    %sub3A_34 = arith.constant 1 : i32
    %sub3A_35 = vector.broadcast %sub3A_34 : i32 to vector<512x1xi32>
    %sub3A_36 = arith.subi %convert_element_type3A_33, %sub3A_35 : vector<512x1xi32>
    %lt3A = arith.constant 80 : i32
    %lt3A_37 = vector.broadcast %lt3A : i32 to vector<512x1xi32>
    %lt3A_38 = arith.cmpi slt, %sub3A_36, %lt3A_37 : vector<512x1xi32>
    %mul3A_39 = arith.constant 81 : i32
    %mul3A_40 = vector.broadcast %mul3A_39 : i32 to vector<512x1xi32>
    %mul3A_41 = arith.muli %slice3A, %mul3A_40 : vector<512x1xi32>
    %jit3A_42 = arith.constant 80 : i32
    %broadcast_in_dim3A_43 = vector.broadcast %jit3A_42 : i32 to vector<512x1xi32>
    %select_n3A_44 = arith.select %lt3A_38, %sub3A_36, %broadcast_in_dim3A_43 : vector<512x1xi1>, vector<512x1xi32>
    %add3A_45 = arith.addi %mul3A_41, %select_n3A_44 : vector<512x1xi32>
    %swap3A = arith.constant 0 : index
    %swap3A_46 = arith.constant 0 : index
    %swap3A_47 = vector.load %arg2[%swap3A, %swap3A_46] : memref<4096x1xi32, #tpu.memory_space<vmem>>, vector<512x1xi32>
    tpu.vector_store %arg2[%swap3A, %swap3A_46], %add3A_45 {strides = array<i32>} : memref<4096x1xi32, #tpu.memory_space<vmem>>, vector<512x1xi32>,
    %jit3A_48 = arith.constant 0.000000e+00 : f32
    %broadcast_in_dim3A_49 = vector.broadcast %jit3A_48 : f32 to vector<512x1xf32>
    %select_n3A_50 = arith.select %lt3A_38, %slice3A_23, %broadcast_in_dim3A_49 : vector<512x1xi1>, vector<512x1xf32>
    %broadcast_in_dim3A_51 = vector.shape_cast %select_n3A_50 : vector<512x1xf32> to vector<512x1xf32>
    %broadcast_in_dim3A_52 = vector.broadcast %broadcast_in_dim3A_51 : vector<512x1xf32> to vector<512x128xf32>
    %swap3A_53 = arith.constant 0 : index
    %swap3A_54 = arith.constant 0 : index
    %swap3A_55 = vector.load %arg3[%swap3A_53, %swap3A_54] : memref<4096x128xf32, #tpu.memory_space<vmem>>, vector<512x128xf32>
    tpu.vector_store %arg3[%swap3A_53, %swap3A_54], %broadcast_in_dim3A_52 {strides = array<i32>} : memref<4096x128xf32, #tpu.memory_space<vmem>>, vector<512x128xf32>,
    %reduce_sum3A_56 = arith.constant dense<0.000000e+00> : vector<64xf32>
    %reduce_sum3A_57 = vector.multi_reduction <add>, %convert_element_type3A_26, %reduce_sum3A_56 [0] : vector<512x64xf32> to vector<64xf32>
    %broadcast_in_dim3A_58 = vector.shape_cast %reduce_sum3A_57 : vector<64xf32> to vector<1x64xf32>
    %add3A_59 = arith.addf %broadcast_in_dim3A_22, %broadcast_in_dim3A_58 : vector<1x64xf32>
    %slice3A_60 = vector.extract_strided_slice %broadcast_in_dim3A_20 {offsets = [512, 0], sizes = [512, 1], strides = [1, 1]} : vector<4096x1xi32> to vector<512x1xi32>
    %slice3A_61 = vector.extract_strided_slice %div3A_14 {offsets = [512, 0], sizes = [512, 1], strides = [1, 1]} : vector<4096x1xf32> to vector<512x1xf32>
    %eq3A_62 = vector.broadcast %slice3A_60 : vector<512x1xi32> to vector<512x64xi32>
    %eq3A_63 = arith.cmpi eq, %iota3A_2, %eq3A_62 : vector<512x64xi32>
    %convert_element_type3A_64 = arith.extui %eq3A_63 : vector<512x64xi1> to vector<512x64xi32>
    %convert_element_type3A_65 = arith.sitofp %convert_element_type3A_64 : vector<512x64xi32> to vector<512x64xf32>
    %dot_general3A_66 = arith.constant dense<0.000000e+00> : vector<512x64xf32>
    %dot_general3A_67 = tpu.matmul %convert_element_type3A_1, %convert_element_type3A_65, %dot_general3A_66 {dimension_numbers = #tpu.dot_dimension_numbers<[1], [0], [0], [1], [0, 0, 1, 1], [], []>, transpose_lhs_hint = false} : vector<512x512xf32>, vector<512x64xf32>, vector<512x64xf32> -> vector<512x64xf32>
    %add3A_68 = vector.broadcast %add3A_59 : vector<1x64xf32> to vector<512x64xf32>
    %add3A_69 = arith.addf %dot_general3A_67, %add3A_68 : vector<512x64xf32>
    %mul3A_70 = arith.mulf %add3A_69, %convert_element_type3A_65 : vector<512x64xf32>
    %reduce_sum3A_71 = arith.constant dense<0.000000e+00> : vector<512xf32>
    %reduce_sum3A_72 = vector.multi_reduction <add>, %mul3A_70, %reduce_sum3A_71 [1] : vector<512x64xf32> to vector<512xf32>
    %broadcast_in_dim3A_73 = vector.shape_cast %reduce_sum3A_72 : vector<512xf32> to vector<512x1xf32>
    %convert_element_type3A_74 = arith.fptosi %broadcast_in_dim3A_73 : vector<512x1xf32> to vector<512x1xi32>
    %sub3A_75 = arith.constant 1 : i32
    %sub3A_76 = vector.broadcast %sub3A_75 : i32 to vector<512x1xi32>
    %sub3A_77 = arith.subi %convert_element_type3A_74, %sub3A_76 : vector<512x1xi32>
    %lt3A_78 = arith.constant 80 : i32
    %lt3A_79 = vector.broadcast %lt3A_78 : i32 to vector<512x1xi32>
    %lt3A_80 = arith.cmpi slt, %sub3A_77, %lt3A_79 : vector<512x1xi32>
    %mul3A_81 = arith.constant 81 : i32
    %mul3A_82 = vector.broadcast %mul3A_81 : i32 to vector<512x1xi32>
    %mul3A_83 = arith.muli %slice3A_60, %mul3A_82 : vector<512x1xi32>
    %jit3A_84 = arith.constant 80 : i32
    %broadcast_in_dim3A_85 = vector.broadcast %jit3A_84 : i32 to vector<512x1xi32>
    %select_n3A_86 = arith.select %lt3A_80, %sub3A_77, %broadcast_in_dim3A_85 : vector<512x1xi1>, vector<512x1xi32>
    %add3A_87 = arith.addi %mul3A_83, %select_n3A_86 : vector<512x1xi32>
    %swap3A_88 = arith.constant 512 : index
    %swap3A_89 = arith.constant 0 : index
    %swap3A_90 = vector.load %arg2[%swap3A_88, %swap3A_89] : memref<4096x1xi32, #tpu.memory_space<vmem>>, vector<512x1xi32>
    tpu.vector_store %arg2[%swap3A_88, %swap3A_89], %add3A_87 {strides = array<i32>} : memref<4096x1xi32, #tpu.memory_space<vmem>>, vector<512x1xi32>,
    %jit3A_91 = arith.constant 0.000000e+00 : f32
    %broadcast_in_dim3A_92 = vector.broadcast %jit3A_91 : f32 to vector<512x1xf32>
    %select_n3A_93 = arith.select %lt3A_80, %slice3A_61, %broadcast_in_dim3A_92 : vector<512x1xi1>, vector<512x1xf32>
    %broadcast_in_dim3A_94 = vector.shape_cast %select_n3A_93 : vector<512x1xf32> to vector<512x1xf32>
    %broadcast_in_dim3A_95 = vector.broadcast %broadcast_in_dim3A_94 : vector<512x1xf32> to vector<512x128xf32>
    %swap3A_96 = arith.constant 512 : index
    %swap3A_97 = arith.constant 0 : index
    %swap3A_98 = vector.load %arg3[%swap3A_96, %swap3A_97] : memref<4096x128xf32, #tpu.memory_space<vmem>>, vector<512x128xf32>
    tpu.vector_store %arg3[%swap3A_96, %swap3A_97], %broadcast_in_dim3A_95 {strides = array<i32>} : memref<4096x128xf32, #tpu.memory_space<vmem>>, vector<512x128xf32>,
    %reduce_sum3A_99 = arith.constant dense<0.000000e+00> : vector<64xf32>
    %reduce_sum3A_100 = vector.multi_reduction <add>, %convert_element_type3A_65, %reduce_sum3A_99 [0] : vector<512x64xf32> to vector<64xf32>
    %broadcast_in_dim3A_101 = vector.shape_cast %reduce_sum3A_100 : vector<64xf32> to vector<1x64xf32>
    %add3A_102 = arith.addf %add3A_59, %broadcast_in_dim3A_101 : vector<1x64xf32>
    %slice3A_103 = vector.extract_strided_slice %broadcast_in_dim3A_20 {offsets = [1024, 0], sizes = [512, 1], strides = [1, 1]} : vector<4096x1xi32> to vector<512x1xi32>
    %slice3A_104 = vector.extract_strided_slice %div3A_14 {offsets = [1024, 0], sizes = [512, 1], strides = [1, 1]} : vector<4096x1xf32> to vector<512x1xf32>
    %eq3A_105 = vector.broadcast %slice3A_103 : vector<512x1xi32> to vector<512x64xi32>
    %eq3A_106 = arith.cmpi eq, %iota3A_2, %eq3A_105 : vector<512x64xi32>
    %convert_element_type3A_107 = arith.extui %eq3A_106 : vector<512x64xi1> to vector<512x64xi32>
    %convert_element_type3A_108 = arith.sitofp %convert_element_type3A_107 : vector<512x64xi32> to vector<512x64xf32>
    %dot_general3A_109 = arith.constant dense<0.000000e+00> : vector<512x64xf32>
    %dot_general3A_110 = tpu.matmul %convert_element_type3A_1, %convert_element_type3A_108, %dot_general3A_109 {dimension_numbers = #tpu.dot_dimension_numbers<[1], [0], [0], [1], [0, 0, 1, 1], [], []>, transpose_lhs_hint = false} : vector<512x512xf32>, vector<512x64xf32>, vector<512x64xf32> -> vector<512x64xf32>
    %add3A_111 = vector.broadcast %add3A_102 : vector<1x64xf32> to vector<512x64xf32>
    %add3A_112 = arith.addf %dot_general3A_110, %add3A_111 : vector<512x64xf32>
    %mul3A_113 = arith.mulf %add3A_112, %convert_element_type3A_108 : vector<512x64xf32>
    %reduce_sum3A_114 = arith.constant dense<0.000000e+00> : vector<512xf32>
    %reduce_sum3A_115 = vector.multi_reduction <add>, %mul3A_113, %reduce_sum3A_114 [1] : vector<512x64xf32> to vector<512xf32>
    %broadcast_in_dim3A_116 = vector.shape_cast %reduce_sum3A_115 : vector<512xf32> to vector<512x1xf32>
    %convert_element_type3A_117 = arith.fptosi %broadcast_in_dim3A_116 : vector<512x1xf32> to vector<512x1xi32>
    %sub3A_118 = arith.constant 1 : i32
    %sub3A_119 = vector.broadcast %sub3A_118 : i32 to vector<512x1xi32>
    %sub3A_120 = arith.subi %convert_element_type3A_117, %sub3A_119 : vector<512x1xi32>
    %lt3A_121 = arith.constant 80 : i32
    %lt3A_122 = vector.broadcast %lt3A_121 : i32 to vector<512x1xi32>
    %lt3A_123 = arith.cmpi slt, %sub3A_120, %lt3A_122 : vector<512x1xi32>
    %mul3A_124 = arith.constant 81 : i32
    %mul3A_125 = vector.broadcast %mul3A_124 : i32 to vector<512x1xi32>
    %mul3A_126 = arith.muli %slice3A_103, %mul3A_125 : vector<512x1xi32>
    %jit3A_127 = arith.constant 80 : i32
    %broadcast_in_dim3A_128 = vector.broadcast %jit3A_127 : i32 to vector<512x1xi32>
    %select_n3A_129 = arith.select %lt3A_123, %sub3A_120, %broadcast_in_dim3A_128 : vector<512x1xi1>, vector<512x1xi32>
    %add3A_130 = arith.addi %mul3A_126, %select_n3A_129 : vector<512x1xi32>
    %swap3A_131 = arith.constant 1024 : index
    %swap3A_132 = arith.constant 0 : index
    %swap3A_133 = vector.load %arg2[%swap3A_131, %swap3A_132] : memref<4096x1xi32, #tpu.memory_space<vmem>>, vector<512x1xi32>
    tpu.vector_store %arg2[%swap3A_131, %swap3A_132], %add3A_130 {strides = array<i32>} : memref<4096x1xi32, #tpu.memory_space<vmem>>, vector<512x1xi32>,
    %jit3A_134 = arith.constant 0.000000e+00 : f32
    %broadcast_in_dim3A_135 = vector.broadcast %jit3A_134 : f32 to vector<512x1xf32>
    %select_n3A_136 = arith.select %lt3A_123, %slice3A_104, %broadcast_in_dim3A_135 : vector<512x1xi1>, vector<512x1xf32>
    %broadcast_in_dim3A_137 = vector.shape_cast %select_n3A_136 : vector<512x1xf32> to vector<512x1xf32>
    %broadcast_in_dim3A_138 = vector.broadcast %broadcast_in_dim3A_137 : vector<512x1xf32> to vector<512x128xf32>
    %swap3A_139 = arith.constant 1024 : index
    %swap3A_140 = arith.constant 0 : index
    %swap3A_141 = vector.load %arg3[%swap3A_139, %swap3A_140] : memref<4096x128xf32, #tpu.memory_space<vmem>>, vector<512x128xf32>
    tpu.vector_store %arg3[%swap3A_139, %swap3A_140], %broadcast_in_dim3A_138 {strides = array<i32>} : memref<4096x128xf32, #tpu.memory_space<vmem>>, vector<512x128xf32>,
    %reduce_sum3A_142 = arith.constant dense<0.000000e+00> : vector<64xf32>
    %reduce_sum3A_143 = vector.multi_reduction <add>, %convert_element_type3A_108, %reduce_sum3A_142 [0] : vector<512x64xf32> to vector<64xf32>
    %broadcast_in_dim3A_144 = vector.shape_cast %reduce_sum3A_143 : vector<64xf32> to vector<1x64xf32>
    %add3A_145 = arith.addf %add3A_102, %broadcast_in_dim3A_144 : vector<1x64xf32>
    %slice3A_146 = vector.extract_strided_slice %broadcast_in_dim3A_20 {offsets = [1536, 0], sizes = [512, 1], strides = [1, 1]} : vector<4096x1xi32> to vector<512x1xi32>
    %slice3A_147 = vector.extract_strided_slice %div3A_14 {offsets = [1536, 0], sizes = [512, 1], strides = [1, 1]} : vector<4096x1xf32> to vector<512x1xf32>
    %eq3A_148 = vector.broadcast %slice3A_146 : vector<512x1xi32> to vector<512x64xi32>
    %eq3A_149 = arith.cmpi eq, %iota3A_2, %eq3A_148 : vector<512x64xi32>
    %convert_element_type3A_150 = arith.extui %eq3A_149 : vector<512x64xi1> to vector<512x64xi32>
    %convert_element_type3A_151 = arith.sitofp %convert_element_type3A_150 : vector<512x64xi32> to vector<512x64xf32>
    %dot_general3A_152 = arith.constant dense<0.000000e+00> : vector<512x64xf32>
    %dot_general3A_153 = tpu.matmul %convert_element_type3A_1, %convert_element_type3A_151, %dot_general3A_152 {dimension_numbers = #tpu.dot_dimension_numbers<[1], [0], [0], [1], [0, 0, 1, 1], [], []>, transpose_lhs_hint = false} : vector<512x512xf32>, vector<512x64xf32>, vector<512x64xf32> -> vector<512x64xf32>
    %add3A_154 = vector.broadcast %add3A_145 : vector<1x64xf32> to vector<512x64xf32>
    %add3A_155 = arith.addf %dot_general3A_153, %add3A_154 : vector<512x64xf32>
    %mul3A_156 = arith.mulf %add3A_155, %convert_element_type3A_151 : vector<512x64xf32>
    %reduce_sum3A_157 = arith.constant dense<0.000000e+00> : vector<512xf32>
    %reduce_sum3A_158 = vector.multi_reduction <add>, %mul3A_156, %reduce_sum3A_157 [1] : vector<512x64xf32> to vector<512xf32>
    %broadcast_in_dim3A_159 = vector.shape_cast %reduce_sum3A_158 : vector<512xf32> to vector<512x1xf32>
    %convert_element_type3A_160 = arith.fptosi %broadcast_in_dim3A_159 : vector<512x1xf32> to vector<512x1xi32>
    %sub3A_161 = arith.constant 1 : i32
    %sub3A_162 = vector.broadcast %sub3A_161 : i32 to vector<512x1xi32>
    %sub3A_163 = arith.subi %convert_element_type3A_160, %sub3A_162 : vector<512x1xi32>
    %lt3A_164 = arith.constant 80 : i32
    %lt3A_165 = vector.broadcast %lt3A_164 : i32 to vector<512x1xi32>
    %lt3A_166 = arith.cmpi slt, %sub3A_163, %lt3A_165 : vector<512x1xi32>
    %mul3A_167 = arith.constant 81 : i32
    %mul3A_168 = vector.broadcast %mul3A_167 : i32 to vector<512x1xi32>
    %mul3A_169 = arith.muli %slice3A_146, %mul3A_168 : vector<512x1xi32>
    %jit3A_170 = arith.constant 80 : i32
    %broadcast_in_dim3A_171 = vector.broadcast %jit3A_170 : i32 to vector<512x1xi32>
    %select_n3A_172 = arith.select %lt3A_166, %sub3A_163, %broadcast_in_dim3A_171 : vector<512x1xi1>, vector<512x1xi32>
    %add3A_173 = arith.addi %mul3A_169, %select_n3A_172 : vector<512x1xi32>
    %swap3A_174 = arith.constant 1536 : index
    %swap3A_175 = arith.constant 0 : index
    %swap3A_176 = vector.load %arg2[%swap3A_174, %swap3A_175] : memref<4096x1xi32, #tpu.memory_space<vmem>>, vector<512x1xi32>
    tpu.vector_store %arg2[%swap3A_174, %swap3A_175], %add3A_173 {strides = array<i32>} : memref<4096x1xi32, #tpu.memory_space<vmem>>, vector<512x1xi32>,
    %jit3A_177 = arith.constant 0.000000e+00 : f32
    %broadcast_in_dim3A_178 = vector.broadcast %jit3A_177 : f32 to vector<512x1xf32>
    %select_n3A_179 = arith.select %lt3A_166, %slice3A_147, %broadcast_in_dim3A_178 : vector<512x1xi1>, vector<512x1xf32>
    %broadcast_in_dim3A_180 = vector.shape_cast %select_n3A_179 : vector<512x1xf32> to vector<512x1xf32>
    %broadcast_in_dim3A_181 = vector.broadcast %broadcast_in_dim3A_180 : vector<512x1xf32> to vector<512x128xf32>
    %swap3A_182 = arith.constant 1536 : index
    %swap3A_183 = arith.constant 0 : index
    %swap3A_184 = vector.load %arg3[%swap3A_182, %swap3A_183] : memref<4096x128xf32, #tpu.memory_space<vmem>>, vector<512x128xf32>
    tpu.vector_store %arg3[%swap3A_182, %swap3A_183], %broadcast_in_dim3A_181 {strides = array<i32>} : memref<4096x128xf32, #tpu.memory_space<vmem>>, vector<512x128xf32>,
    %reduce_sum3A_185 = arith.constant dense<0.000000e+00> : vector<64xf32>
    %reduce_sum3A_186 = vector.multi_reduction <add>, %convert_element_type3A_151, %reduce_sum3A_185 [0] : vector<512x64xf32> to vector<64xf32>
    %broadcast_in_dim3A_187 = vector.shape_cast %reduce_sum3A_186 : vector<64xf32> to vector<1x64xf32>
    %add3A_188 = arith.addf %add3A_145, %broadcast_in_dim3A_187 : vector<1x64xf32>
    %slice3A_189 = vector.extract_strided_slice %broadcast_in_dim3A_20 {offsets = [2048, 0], sizes = [512, 1], strides = [1, 1]} : vector<4096x1xi32> to vector<512x1xi32>
    %slice3A_190 = vector.extract_strided_slice %div3A_14 {offsets = [2048, 0], sizes = [512, 1], strides = [1, 1]} : vector<4096x1xf32> to vector<512x1xf32>
    %eq3A_191 = vector.broadcast %slice3A_189 : vector<512x1xi32> to vector<512x64xi32>
    %eq3A_192 = arith.cmpi eq, %iota3A_2, %eq3A_191 : vector<512x64xi32>
    %convert_element_type3A_193 = arith.extui %eq3A_192 : vector<512x64xi1> to vector<512x64xi32>
    %convert_element_type3A_194 = arith.sitofp %convert_element_type3A_193 : vector<512x64xi32> to vector<512x64xf32>
    %dot_general3A_195 = arith.constant dense<0.000000e+00> : vector<512x64xf32>
    %dot_general3A_196 = tpu.matmul %convert_element_type3A_1, %convert_element_type3A_194, %dot_general3A_195 {dimension_numbers = #tpu.dot_dimension_numbers<[1], [0], [0], [1], [0, 0, 1, 1], [], []>, transpose_lhs_hint = false} : vector<512x512xf32>, vector<512x64xf32>, vector<512x64xf32> -> vector<512x64xf32>
    %add3A_197 = vector.broadcast %add3A_188 : vector<1x64xf32> to vector<512x64xf32>
    %add3A_198 = arith.addf %dot_general3A_196, %add3A_197 : vector<512x64xf32>
    %mul3A_199 = arith.mulf %add3A_198, %convert_element_type3A_194 : vector<512x64xf32>
    %reduce_sum3A_200 = arith.constant dense<0.000000e+00> : vector<512xf32>
    %reduce_sum3A_201 = vector.multi_reduction <add>, %mul3A_199, %reduce_sum3A_200 [1] : vector<512x64xf32> to vector<512xf32>
    %broadcast_in_dim3A_202 = vector.shape_cast %reduce_sum3A_201 : vector<512xf32> to vector<512x1xf32>
    %convert_element_type3A_203 = arith.fptosi %broadcast_in_dim3A_202 : vector<512x1xf32> to vector<512x1xi32>
    %sub3A_204 = arith.constant 1 : i32
    %sub3A_205 = vector.broadcast %sub3A_204 : i32 to vector<512x1xi32>
    %sub3A_206 = arith.subi %convert_element_type3A_203, %sub3A_205 : vector<512x1xi32>
    %lt3A_207 = arith.constant 80 : i32
    %lt3A_208 = vector.broadcast %lt3A_207 : i32 to vector<512x1xi32>
    %lt3A_209 = arith.cmpi slt, %sub3A_206, %lt3A_208 : vector<512x1xi32>
    %mul3A_210 = arith.constant 81 : i32
    %mul3A_211 = vector.broadcast %mul3A_210 : i32 to vector<512x1xi32>
    %mul3A_212 = arith.muli %slice3A_189, %mul3A_211 : vector<512x1xi32>
    %jit3A_213 = arith.constant 80 : i32
    %broadcast_in_dim3A_214 = vector.broadcast %jit3A_213 : i32 to vector<512x1xi32>
    %select_n3A_215 = arith.select %lt3A_209, %sub3A_206, %broadcast_in_dim3A_214 : vector<512x1xi1>, vector<512x1xi32>
    %add3A_216 = arith.addi %mul3A_212, %select_n3A_215 : vector<512x1xi32>
    %swap3A_217 = arith.constant 2048 : index
    %swap3A_218 = arith.constant 0 : index
    %swap3A_219 = vector.load %arg2[%swap3A_217, %swap3A_218] : memref<4096x1xi32, #tpu.memory_space<vmem>>, vector<512x1xi32>
    tpu.vector_store %arg2[%swap3A_217, %swap3A_218], %add3A_216 {strides = array<i32>} : memref<4096x1xi32, #tpu.memory_space<vmem>>, vector<512x1xi32>,
    %jit3A_220 = arith.constant 0.000000e+00 : f32
    %broadcast_in_dim3A_221 = vector.broadcast %jit3A_220 : f32 to vector<512x1xf32>
    %select_n3A_222 = arith.select %lt3A_209, %slice3A_190, %broadcast_in_dim3A_221 : vector<512x1xi1>, vector<512x1xf32>
    %broadcast_in_dim3A_223 = vector.shape_cast %select_n3A_222 : vector<512x1xf32> to vector<512x1xf32>
    %broadcast_in_dim3A_224 = vector.broadcast %broadcast_in_dim3A_223 : vector<512x1xf32> to vector<512x128xf32>
    %swap3A_225 = arith.constant 2048 : index
    %swap3A_226 = arith.constant 0 : index
    %swap3A_227 = vector.load %arg3[%swap3A_225, %swap3A_226] : memref<4096x128xf32, #tpu.memory_space<vmem>>, vector<512x128xf32>
    tpu.vector_store %arg3[%swap3A_225, %swap3A_226], %broadcast_in_dim3A_224 {strides = array<i32>} : memref<4096x128xf32, #tpu.memory_space<vmem>>, vector<512x128xf32>,
    %reduce_sum3A_228 = arith.constant dense<0.000000e+00> : vector<64xf32>
    %reduce_sum3A_229 = vector.multi_reduction <add>, %convert_element_type3A_194, %reduce_sum3A_228 [0] : vector<512x64xf32> to vector<64xf32>
    %broadcast_in_dim3A_230 = vector.shape_cast %reduce_sum3A_229 : vector<64xf32> to vector<1x64xf32>
    %add3A_231 = arith.addf %add3A_188, %broadcast_in_dim3A_230 : vector<1x64xf32>
    %slice3A_232 = vector.extract_strided_slice %broadcast_in_dim3A_20 {offsets = [2560, 0], sizes = [512, 1], strides = [1, 1]} : vector<4096x1xi32> to vector<512x1xi32>
    %slice3A_233 = vector.extract_strided_slice %div3A_14 {offsets = [2560, 0], sizes = [512, 1], strides = [1, 1]} : vector<4096x1xf32> to vector<512x1xf32>
    %eq3A_234 = vector.broadcast %slice3A_232 : vector<512x1xi32> to vector<512x64xi32>
    %eq3A_235 = arith.cmpi eq, %iota3A_2, %eq3A_234 : vector<512x64xi32>
    %convert_element_type3A_236 = arith.extui %eq3A_235 : vector<512x64xi1> to vector<512x64xi32>
    %convert_element_type3A_237 = arith.sitofp %convert_element_type3A_236 : vector<512x64xi32> to vector<512x64xf32>
    %dot_general3A_238 = arith.constant dense<0.000000e+00> : vector<512x64xf32>
    %dot_general3A_239 = tpu.matmul %convert_element_type3A_1, %convert_element_type3A_237, %dot_general3A_238 {dimension_numbers = #tpu.dot_dimension_numbers<[1], [0], [0], [1], [0, 0, 1, 1], [], []>, transpose_lhs_hint = false} : vector<512x512xf32>, vector<512x64xf32>, vector<512x64xf32> -> vector<512x64xf32>
    %add3A_240 = vector.broadcast %add3A_231 : vector<1x64xf32> to vector<512x64xf32>
    %add3A_241 = arith.addf %dot_general3A_239, %add3A_240 : vector<512x64xf32>
    %mul3A_242 = arith.mulf %add3A_241, %convert_element_type3A_237 : vector<512x64xf32>
    %reduce_sum3A_243 = arith.constant dense<0.000000e+00> : vector<512xf32>
    %reduce_sum3A_244 = vector.multi_reduction <add>, %mul3A_242, %reduce_sum3A_243 [1] : vector<512x64xf32> to vector<512xf32>
    %broadcast_in_dim3A_245 = vector.shape_cast %reduce_sum3A_244 : vector<512xf32> to vector<512x1xf32>
    %convert_element_type3A_246 = arith.fptosi %broadcast_in_dim3A_245 : vector<512x1xf32> to vector<512x1xi32>
    %sub3A_247 = arith.constant 1 : i32
    %sub3A_248 = vector.broadcast %sub3A_247 : i32 to vector<512x1xi32>
    %sub3A_249 = arith.subi %convert_element_type3A_246, %sub3A_248 : vector<512x1xi32>
    %lt3A_250 = arith.constant 80 : i32
    %lt3A_251 = vector.broadcast %lt3A_250 : i32 to vector<512x1xi32>
    %lt3A_252 = arith.cmpi slt, %sub3A_249, %lt3A_251 : vector<512x1xi32>
    %mul3A_253 = arith.constant 81 : i32
    %mul3A_254 = vector.broadcast %mul3A_253 : i32 to vector<512x1xi32>
    %mul3A_255 = arith.muli %slice3A_232, %mul3A_254 : vector<512x1xi32>
    %jit3A_256 = arith.constant 80 : i32
    %broadcast_in_dim3A_257 = vector.broadcast %jit3A_256 : i32 to vector<512x1xi32>
    %select_n3A_258 = arith.select %lt3A_252, %sub3A_249, %broadcast_in_dim3A_257 : vector<512x1xi1>, vector<512x1xi32>
    %add3A_259 = arith.addi %mul3A_255, %select_n3A_258 : vector<512x1xi32>
    %swap3A_260 = arith.constant 2560 : index
    %swap3A_261 = arith.constant 0 : index
    %swap3A_262 = vector.load %arg2[%swap3A_260, %swap3A_261] : memref<4096x1xi32, #tpu.memory_space<vmem>>, vector<512x1xi32>
    tpu.vector_store %arg2[%swap3A_260, %swap3A_261], %add3A_259 {strides = array<i32>} : memref<4096x1xi32, #tpu.memory_space<vmem>>, vector<512x1xi32>,
    %jit3A_263 = arith.constant 0.000000e+00 : f32
    %broadcast_in_dim3A_264 = vector.broadcast %jit3A_263 : f32 to vector<512x1xf32>
    %select_n3A_265 = arith.select %lt3A_252, %slice3A_233, %broadcast_in_dim3A_264 : vector<512x1xi1>, vector<512x1xf32>
    %broadcast_in_dim3A_266 = vector.shape_cast %select_n3A_265 : vector<512x1xf32> to vector<512x1xf32>
    %broadcast_in_dim3A_267 = vector.broadcast %broadcast_in_dim3A_266 : vector<512x1xf32> to vector<512x128xf32>
    %swap3A_268 = arith.constant 2560 : index
    %swap3A_269 = arith.constant 0 : index
    %swap3A_270 = vector.load %arg3[%swap3A_268, %swap3A_269] : memref<4096x128xf32, #tpu.memory_space<vmem>>, vector<512x128xf32>
    tpu.vector_store %arg3[%swap3A_268, %swap3A_269], %broadcast_in_dim3A_267 {strides = array<i32>} : memref<4096x128xf32, #tpu.memory_space<vmem>>, vector<512x128xf32>,
    %reduce_sum3A_271 = arith.constant dense<0.000000e+00> : vector<64xf32>
    %reduce_sum3A_272 = vector.multi_reduction <add>, %convert_element_type3A_237, %reduce_sum3A_271 [0] : vector<512x64xf32> to vector<64xf32>
    %broadcast_in_dim3A_273 = vector.shape_cast %reduce_sum3A_272 : vector<64xf32> to vector<1x64xf32>
    %add3A_274 = arith.addf %add3A_231, %broadcast_in_dim3A_273 : vector<1x64xf32>
    %slice3A_275 = vector.extract_strided_slice %broadcast_in_dim3A_20 {offsets = [3072, 0], sizes = [512, 1], strides = [1, 1]} : vector<4096x1xi32> to vector<512x1xi32>
    %slice3A_276 = vector.extract_strided_slice %div3A_14 {offsets = [3072, 0], sizes = [512, 1], strides = [1, 1]} : vector<4096x1xf32> to vector<512x1xf32>
    %eq3A_277 = vector.broadcast %slice3A_275 : vector<512x1xi32> to vector<512x64xi32>
    %eq3A_278 = arith.cmpi eq, %iota3A_2, %eq3A_277 : vector<512x64xi32>
    %convert_element_type3A_279 = arith.extui %eq3A_278 : vector<512x64xi1> to vector<512x64xi32>
    %convert_element_type3A_280 = arith.sitofp %convert_element_type3A_279 : vector<512x64xi32> to vector<512x64xf32>
    %dot_general3A_281 = arith.constant dense<0.000000e+00> : vector<512x64xf32>
    %dot_general3A_282 = tpu.matmul %convert_element_type3A_1, %convert_element_type3A_280, %dot_general3A_281 {dimension_numbers = #tpu.dot_dimension_numbers<[1], [0], [0], [1], [0, 0, 1, 1], [], []>, transpose_lhs_hint = false} : vector<512x512xf32>, vector<512x64xf32>, vector<512x64xf32> -> vector<512x64xf32>
    %add3A_283 = vector.broadcast %add3A_274 : vector<1x64xf32> to vector<512x64xf32>
    %add3A_284 = arith.addf %dot_general3A_282, %add3A_283 : vector<512x64xf32>
    %mul3A_285 = arith.mulf %add3A_284, %convert_element_type3A_280 : vector<512x64xf32>
    %reduce_sum3A_286 = arith.constant dense<0.000000e+00> : vector<512xf32>
    %reduce_sum3A_287 = vector.multi_reduction <add>, %mul3A_285, %reduce_sum3A_286 [1] : vector<512x64xf32> to vector<512xf32>
    %broadcast_in_dim3A_288 = vector.shape_cast %reduce_sum3A_287 : vector<512xf32> to vector<512x1xf32>
    %convert_element_type3A_289 = arith.fptosi %broadcast_in_dim3A_288 : vector<512x1xf32> to vector<512x1xi32>
    %sub3A_290 = arith.constant 1 : i32
    %sub3A_291 = vector.broadcast %sub3A_290 : i32 to vector<512x1xi32>
    %sub3A_292 = arith.subi %convert_element_type3A_289, %sub3A_291 : vector<512x1xi32>
    %lt3A_293 = arith.constant 80 : i32
    %lt3A_294 = vector.broadcast %lt3A_293 : i32 to vector<512x1xi32>
    %lt3A_295 = arith.cmpi slt, %sub3A_292, %lt3A_294 : vector<512x1xi32>
    %mul3A_296 = arith.constant 81 : i32
    %mul3A_297 = vector.broadcast %mul3A_296 : i32 to vector<512x1xi32>
    %mul3A_298 = arith.muli %slice3A_275, %mul3A_297 : vector<512x1xi32>
    %jit3A_299 = arith.constant 80 : i32
    %broadcast_in_dim3A_300 = vector.broadcast %jit3A_299 : i32 to vector<512x1xi32>
    %select_n3A_301 = arith.select %lt3A_295, %sub3A_292, %broadcast_in_dim3A_300 : vector<512x1xi1>, vector<512x1xi32>
    %add3A_302 = arith.addi %mul3A_298, %select_n3A_301 : vector<512x1xi32>
    %swap3A_303 = arith.constant 3072 : index
    %swap3A_304 = arith.constant 0 : index
    %swap3A_305 = vector.load %arg2[%swap3A_303, %swap3A_304] : memref<4096x1xi32, #tpu.memory_space<vmem>>, vector<512x1xi32>
    tpu.vector_store %arg2[%swap3A_303, %swap3A_304], %add3A_302 {strides = array<i32>} : memref<4096x1xi32, #tpu.memory_space<vmem>>, vector<512x1xi32>,
    %jit3A_306 = arith.constant 0.000000e+00 : f32
    %broadcast_in_dim3A_307 = vector.broadcast %jit3A_306 : f32 to vector<512x1xf32>
    %select_n3A_308 = arith.select %lt3A_295, %slice3A_276, %broadcast_in_dim3A_307 : vector<512x1xi1>, vector<512x1xf32>
    %broadcast_in_dim3A_309 = vector.shape_cast %select_n3A_308 : vector<512x1xf32> to vector<512x1xf32>
    %broadcast_in_dim3A_310 = vector.broadcast %broadcast_in_dim3A_309 : vector<512x1xf32> to vector<512x128xf32>
    %swap3A_311 = arith.constant 3072 : index
    %swap3A_312 = arith.constant 0 : index
    %swap3A_313 = vector.load %arg3[%swap3A_311, %swap3A_312] : memref<4096x128xf32, #tpu.memory_space<vmem>>, vector<512x128xf32>
    tpu.vector_store %arg3[%swap3A_311, %swap3A_312], %broadcast_in_dim3A_310 {strides = array<i32>} : memref<4096x128xf32, #tpu.memory_space<vmem>>, vector<512x128xf32>,
    %reduce_sum3A_314 = arith.constant dense<0.000000e+00> : vector<64xf32>
    %reduce_sum3A_315 = vector.multi_reduction <add>, %convert_element_type3A_280, %reduce_sum3A_314 [0] : vector<512x64xf32> to vector<64xf32>
    %broadcast_in_dim3A_316 = vector.shape_cast %reduce_sum3A_315 : vector<64xf32> to vector<1x64xf32>
    %add3A_317 = arith.addf %add3A_274, %broadcast_in_dim3A_316 : vector<1x64xf32>
    %slice3A_318 = vector.extract_strided_slice %broadcast_in_dim3A_20 {offsets = [3584, 0], sizes = [512, 1], strides = [1, 1]} : vector<4096x1xi32> to vector<512x1xi32>
    %slice3A_319 = vector.extract_strided_slice %div3A_14 {offsets = [3584, 0], sizes = [512, 1], strides = [1, 1]} : vector<4096x1xf32> to vector<512x1xf32>
    %eq3A_320 = vector.broadcast %slice3A_318 : vector<512x1xi32> to vector<512x64xi32>
    %eq3A_321 = arith.cmpi eq, %iota3A_2, %eq3A_320 : vector<512x64xi32>
    %convert_element_type3A_322 = arith.extui %eq3A_321 : vector<512x64xi1> to vector<512x64xi32>
    %convert_element_type3A_323 = arith.sitofp %convert_element_type3A_322 : vector<512x64xi32> to vector<512x64xf32>
    %dot_general3A_324 = arith.constant dense<0.000000e+00> : vector<512x64xf32>
    %dot_general3A_325 = tpu.matmul %convert_element_type3A_1, %convert_element_type3A_323, %dot_general3A_324 {dimension_numbers = #tpu.dot_dimension_numbers<[1], [0], [0], [1], [0, 0, 1, 1], [], []>, transpose_lhs_hint = false} : vector<512x512xf32>, vector<512x64xf32>, vector<512x64xf32> -> vector<512x64xf32>
    %add3A_326 = vector.broadcast %add3A_317 : vector<1x64xf32> to vector<512x64xf32>
    %add3A_327 = arith.addf %dot_general3A_325, %add3A_326 : vector<512x64xf32>
    %mul3A_328 = arith.mulf %add3A_327, %convert_element_type3A_323 : vector<512x64xf32>
    %reduce_sum3A_329 = arith.constant dense<0.000000e+00> : vector<512xf32>
    %reduce_sum3A_330 = vector.multi_reduction <add>, %mul3A_328, %reduce_sum3A_329 [1] : vector<512x64xf32> to vector<512xf32>
    %broadcast_in_dim3A_331 = vector.shape_cast %reduce_sum3A_330 : vector<512xf32> to vector<512x1xf32>
    %convert_element_type3A_332 = arith.fptosi %broadcast_in_dim3A_331 : vector<512x1xf32> to vector<512x1xi32>
    %sub3A_333 = arith.constant 1 : i32
    %sub3A_334 = vector.broadcast %sub3A_333 : i32 to vector<512x1xi32>
    %sub3A_335 = arith.subi %convert_element_type3A_332, %sub3A_334 : vector<512x1xi32>
    %lt3A_336 = arith.constant 80 : i32
    %lt3A_337 = vector.broadcast %lt3A_336 : i32 to vector<512x1xi32>
    %lt3A_338 = arith.cmpi slt, %sub3A_335, %lt3A_337 : vector<512x1xi32>
    %mul3A_339 = arith.constant 81 : i32
    %mul3A_340 = vector.broadcast %mul3A_339 : i32 to vector<512x1xi32>
    %mul3A_341 = arith.muli %slice3A_318, %mul3A_340 : vector<512x1xi32>
    %jit3A_342 = arith.constant 80 : i32
    %broadcast_in_dim3A_343 = vector.broadcast %jit3A_342 : i32 to vector<512x1xi32>
    %select_n3A_344 = arith.select %lt3A_338, %sub3A_335, %broadcast_in_dim3A_343 : vector<512x1xi1>, vector<512x1xi32>
    %add3A_345 = arith.addi %mul3A_341, %select_n3A_344 : vector<512x1xi32>
    %swap3A_346 = arith.constant 3584 : index
    %swap3A_347 = arith.constant 0 : index
    %swap3A_348 = vector.load %arg2[%swap3A_346, %swap3A_347] : memref<4096x1xi32, #tpu.memory_space<vmem>>, vector<512x1xi32>
    tpu.vector_store %arg2[%swap3A_346, %swap3A_347], %add3A_345 {strides = array<i32>} : memref<4096x1xi32, #tpu.memory_space<vmem>>, vector<512x1xi32>,
    %jit3A_349 = arith.constant 0.000000e+00 : f32
    %broadcast_in_dim3A_350 = vector.broadcast %jit3A_349 : f32 to vector<512x1xf32>
    %select_n3A_351 = arith.select %lt3A_338, %slice3A_319, %broadcast_in_dim3A_350 : vector<512x1xi1>, vector<512x1xf32>
    %broadcast_in_dim3A_352 = vector.shape_cast %select_n3A_351 : vector<512x1xf32> to vector<512x1xf32>
    %broadcast_in_dim3A_353 = vector.broadcast %broadcast_in_dim3A_352 : vector<512x1xf32> to vector<512x128xf32>
    %swap3A_354 = arith.constant 3584 : index
    %swap3A_355 = arith.constant 0 : index
    %swap3A_356 = vector.load %arg3[%swap3A_354, %swap3A_355] : memref<4096x128xf32, #tpu.memory_space<vmem>>, vector<512x128xf32>
    tpu.vector_store %arg3[%swap3A_354, %swap3A_355], %broadcast_in_dim3A_353 {strides = array<i32>} : memref<4096x128xf32, #tpu.memory_space<vmem>>, vector<512x128xf32>,
    return
  }
}

module attributes {stable_mosaic.version = 14 : i64} {
  func.func @_ffn_body(%arg0: i32, %arg1: i32, %arg2: memref<1x81x768xf32, #tpu.memory_space<vmem>>, %arg3: memref<1x768x1536xf32, #tpu.memory_space<vmem>>, %arg4: memref<1x1x1536xf32, #tpu.memory_space<vmem>>, %arg5: memref<1x1536x768xf32, #tpu.memory_space<vmem>>, %arg6: memref<1x1x768xf32, #tpu.memory_space<vmem>>, %arg7: memref<1x81x128xf32, #tpu.memory_space<vmem>>, %arg8: memref<1x81x768xf32, #tpu.memory_space<vmem>>) attributes {dimension_semantics = [#tpu.dimension_semantics<arbitrary>, #tpu.dimension_semantics<arbitrary>], iteration_bounds = array<i64: 64, 2>, scalar_prefetch = 0 : i64, scratch_operands = 0 : i64, tpu.core_type = #tpu.core_type<tc>, window_params = [{transform_indices = @transform_0, window_bounds = array<i64: 1, 81, 768>}, {transform_indices = @transform_1, window_bounds = array<i64: 1, 768, 1536>}, {transform_indices = @transform_2, window_bounds = array<i64: 1, 1, 1536>}, {transform_indices = @transform_3, window_bounds = array<i64: 1, 1536, 768>}, {transform_indices = @transform_4, window_bounds = array<i64: 1, 1, 768>}, {transform_indices = @transform_5, window_bounds = array<i64: 1, 81, 128>}, {transform_indices = @transform_6, window_bounds = array<i64: 1, 81, 768>}]} {
    %get3A = arith.constant 0 : index
    %get3A_0 = arith.constant 0 : index
    %get3A_1 = arith.constant 0 : index
    %get3A_2 = vector.load %arg2[%get3A, %get3A_0, %get3A_1] : memref<1x81x768xf32, #tpu.memory_space<vmem>>, vector<1x80x768xf32>
    %get3A_3 = vector.shape_cast %get3A_2 : vector<1x80x768xf32> to vector<80x768xf32>
    %get3A_4 = arith.constant 0 : index
    %get3A_5 = arith.constant 0 : index
    %get3A_6 = arith.constant 0 : index
    %get3A_7 = vector.load %arg3[%get3A_4, %get3A_5, %get3A_6] : memref<1x768x1536xf32, #tpu.memory_space<vmem>>, vector<1x768x1536xf32>
    %get3A_8 = vector.shape_cast %get3A_7 : vector<1x768x1536xf32> to vector<768x1536xf32>
    %dot_general3A = arith.constant dense<0.000000e+00> : vector<80x1536xf32>
    %dot_general3A_9 = tpu.matmul %get3A_3, %get3A_8, %dot_general3A {dimension_numbers = #tpu.dot_dimension_numbers<[1], [0], [0], [1], [0, 0, 1, 1], [], []>, transpose_lhs_hint = false} : vector<80x768xf32>, vector<768x1536xf32>, vector<80x1536xf32> -> vector<80x1536xf32>
    %get3A_10 = arith.constant 0 : index
    %get3A_11 = arith.constant 0 : index
    %get3A_12 = arith.constant 0 : index
    %get3A_13 = vector.load %arg4[%get3A_10, %get3A_11, %get3A_12] : memref<1x1x1536xf32, #tpu.memory_space<vmem>>, vector<1x1x1536xf32>
    %get3A_14 = vector.shape_cast %get3A_13 : vector<1x1x1536xf32> to vector<1x1536xf32>
    %add3A = vector.broadcast %get3A_14 : vector<1x1536xf32> to vector<80x1536xf32>
    %add3A_15 = arith.addf %dot_general3A_9, %add3A : vector<80x1536xf32>
    %mul3A = arith.constant 5.000000e-01 : f32
    %mul3A_16 = vector.broadcast %mul3A : f32 to vector<80x1536xf32>
    %mul3A_17 = arith.mulf %mul3A_16, %add3A_15 : vector<80x1536xf32>
    %mul3A_18 = arith.constant 0.707106769 : f32
    %mul3A_19 = vector.broadcast %mul3A_18 : f32 to vector<80x1536xf32>
    %mul3A_20 = arith.mulf %add3A_15, %mul3A_19 : vector<80x1536xf32>
    %erf3A = math.erf %mul3A_20 : vector<80x1536xf32>
    %add3A_21 = arith.constant 1.000000e+00 : f32
    %add3A_22 = vector.broadcast %add3A_21 : f32 to vector<80x1536xf32>
    %add3A_23 = arith.addf %add3A_22, %erf3A : vector<80x1536xf32>
    %mul3A_24 = arith.mulf %mul3A_17, %add3A_23 : vector<80x1536xf32>
    %get3A_25 = arith.constant 0 : index
    %get3A_26 = arith.constant 0 : index
    %get3A_27 = arith.constant 0 : index
    %get3A_28 = vector.load %arg5[%get3A_25, %get3A_26, %get3A_27] : memref<1x1536x768xf32, #tpu.memory_space<vmem>>, vector<1x1536x768xf32>
    %get3A_29 = vector.shape_cast %get3A_28 : vector<1x1536x768xf32> to vector<1536x768xf32>
    %dot_general3A_30 = arith.constant dense<0.000000e+00> : vector<80x768xf32>
    %dot_general3A_31 = tpu.matmul %mul3A_24, %get3A_29, %dot_general3A_30 {dimension_numbers = #tpu.dot_dimension_numbers<[1], [0], [0], [1], [0, 0, 1, 1], [], []>, transpose_lhs_hint = false} : vector<80x1536xf32>, vector<1536x768xf32>, vector<80x768xf32> -> vector<80x768xf32>
    %eq3A = arith.constant 0 : i32
    %eq3A_32 = arith.cmpi eq, %arg1, %eq3A : i32
    %convert_element_type3A = arith.extui %eq3A_32 : i1 to i32
    %cond3A = arith.constant 0 : i32
    %cond3A_33 = arith.cmpi ne, %convert_element_type3A, %cond3A : i32
    scf.if %cond3A_33 {
      %swap3A = arith.constant 0 : index
      %swap3A_39 = arith.constant 0 : index
      %swap3A_40 = arith.constant 0 : index
      %swap3A_41 = vector.load %arg8[%swap3A, %swap3A_39, %swap3A_40] : memref<1x81x768xf32, #tpu.memory_space<vmem>>, vector<1x80x768xf32>
      %swap3A_42 = vector.shape_cast %swap3A_41 : vector<1x80x768xf32> to vector<80x768xf32>
      %swap3A_43 = vector.shape_cast %dot_general3A_31 : vector<80x768xf32> to vector<1x80x768xf32>
      tpu.vector_store %arg8[%swap3A, %swap3A_39, %swap3A_40], %swap3A_43 {strides = array<i32>} : memref<1x81x768xf32, #tpu.memory_space<vmem>>, vector<1x80x768xf32>,
      %broadcast_in_dim3A = arith.constant 0.000000e+00 : f32
      %broadcast_in_dim3A_44 = vector.broadcast %broadcast_in_dim3A : f32 to vector<1x768xf32>
      %swap3A_45 = arith.constant 0 : index
      %swap3A_46 = arith.constant 80 : index
      %swap3A_47 = arith.constant 0 : index
      %swap3A_48 = vector.load %arg8[%swap3A_45, %swap3A_46, %swap3A_47] : memref<1x81x768xf32, #tpu.memory_space<vmem>>, vector<1x1x768xf32>
      %swap3A_49 = vector.shape_cast %swap3A_48 : vector<1x1x768xf32> to vector<1x768xf32>
      %swap3A_50 = vector.shape_cast %broadcast_in_dim3A_44 : vector<1x768xf32> to vector<1x1x768xf32>
      tpu.vector_store %arg8[%swap3A_45, %swap3A_46, %swap3A_47], %swap3A_50 {strides = array<i32>} : memref<1x81x768xf32, #tpu.memory_space<vmem>>, vector<1x1x768xf32>,
    } else {
    }
    %eq3A_34 = arith.constant 1 : i32
    %eq3A_35 = arith.cmpi eq, %arg1, %eq3A_34 : i32
    %convert_element_type3A_36 = arith.extui %eq3A_35 : i1 to i32
    %cond3A_37 = arith.constant 0 : i32
    %cond3A_38 = arith.cmpi ne, %convert_element_type3A_36, %cond3A_37 : i32
    scf.if %cond3A_38 {
      %get3A_39 = arith.constant 0 : index
      %get3A_40 = arith.constant 0 : index
      %get3A_41 = arith.constant 0 : index
      %get3A_42 = vector.load %arg8[%get3A_39, %get3A_40, %get3A_41] : memref<1x81x768xf32, #tpu.memory_space<vmem>>, vector<1x80x768xf32>
      %get3A_43 = vector.shape_cast %get3A_42 : vector<1x80x768xf32> to vector<80x768xf32>
      %add3A_44 = arith.addf %get3A_43, %dot_general3A_31 : vector<80x768xf32>
      %get3A_45 = arith.constant 0 : index
      %get3A_46 = arith.constant 0 : index
      %get3A_47 = arith.constant 0 : index
      %get3A_48 = vector.load %arg6[%get3A_45, %get3A_46, %get3A_47] : memref<1x1x768xf32, #tpu.memory_space<vmem>>, vector<1x1x768xf32>
      %get3A_49 = vector.shape_cast %get3A_48 : vector<1x1x768xf32> to vector<1x768xf32>
      %add3A_50 = vector.broadcast %get3A_49 : vector<1x768xf32> to vector<80x768xf32>
      %add3A_51 = arith.addf %add3A_44, %add3A_50 : vector<80x768xf32>
      %get3A_52 = arith.constant 0 : index
      %get3A_53 = arith.constant 0 : index
      %get3A_54 = arith.constant 0 : index
      %get3A_55 = vector.load %arg7[%get3A_52, %get3A_53, %get3A_54] : memref<1x81x128xf32, #tpu.memory_space<vmem>>, vector<1x80x1xf32>
      %get3A_56 = vector.shape_cast %get3A_55 : vector<1x80x1xf32> to vector<80x1xf32>
      %mul3A_57 = vector.broadcast %get3A_56 : vector<80x1xf32> to vector<80x768xf32>
      %mul3A_58 = arith.mulf %add3A_51, %mul3A_57 : vector<80x768xf32>
      %swap3A = arith.constant 0 : index
      %swap3A_59 = arith.constant 0 : index
      %swap3A_60 = arith.constant 0 : index
      %swap3A_61 = vector.load %arg8[%swap3A, %swap3A_59, %swap3A_60] : memref<1x81x768xf32, #tpu.memory_space<vmem>>, vector<1x80x768xf32>
      %swap3A_62 = vector.shape_cast %swap3A_61 : vector<1x80x768xf32> to vector<80x768xf32>
      %swap3A_63 = vector.shape_cast %mul3A_58 : vector<80x768xf32> to vector<1x80x768xf32>
      tpu.vector_store %arg8[%swap3A, %swap3A_59, %swap3A_60], %swap3A_63 {strides = array<i32>} : memref<1x81x768xf32, #tpu.memory_space<vmem>>, vector<1x80x768xf32>,
    } else {
    }
    return
  }
  func.func @transform_0(%arg0: i32, %arg1: i32) -> (i32, i32, i32) {
    %c0_i32 = arith.constant 0 : i32
    %c0_i32_0 = arith.constant 0 : i32
    %c0_i32_1 = arith.constant 0 : i32
    return %arg0, %c0_i32, %c0_i32_0 : i32, i32, i32
  }
  func.func @transform_1(%arg0: i32, %arg1: i32) -> (i32, i32, i32) {
    %c0_i32 = arith.constant 0 : i32
    %c0_i32_0 = arith.constant 0 : i32
    return %arg0, %c0_i32, %arg1 : i32, i32, i32
  }
  func.func @transform_2(%arg0: i32, %arg1: i32) -> (i32, i32, i32) {
    %c0_i32 = arith.constant 0 : i32
    %c0_i32_0 = arith.constant 0 : i32
    return %arg0, %c0_i32, %arg1 : i32, i32, i32
  }
  func.func @transform_3(%arg0: i32, %arg1: i32) -> (i32, i32, i32) {
    %c0_i32 = arith.constant 0 : i32
    %c0_i32_0 = arith.constant 0 : i32
    return %arg0, %arg1, %c0_i32 : i32, i32, i32
  }
  func.func @transform_4(%arg0: i32, %arg1: i32) -> (i32, i32, i32) {
    %c0_i32 = arith.constant 0 : i32
    %c0_i32_0 = arith.constant 0 : i32
    %c0_i32_1 = arith.constant 0 : i32
    return %arg0, %c0_i32, %c0_i32_0 : i32, i32, i32
  }
  func.func @transform_5(%arg0: i32, %arg1: i32) -> (i32, i32, i32) {
    %c0_i32 = arith.constant 0 : i32
    %c0_i32_0 = arith.constant 0 : i32
    %c0_i32_1 = arith.constant 0 : i32
    return %arg0, %c0_i32, %c0_i32_0 : i32, i32, i32
  }
  func.func @transform_6(%arg0: i32, %arg1: i32) -> (i32, i32, i32) {
    %c0_i32 = arith.constant 0 : i32
    %c0_i32_0 = arith.constant 0 : i32
    %c0_i32_1 = arith.constant 0 : i32
    return %arg0, %c0_i32, %c0_i32_0 : i32, i32, i32
  }
}

</mosaic_0001>

<sc_bundles>
// kernel: kernel.6.cloned.1.call-start
scs
__scs_entry_jumppad:
0x0: {  	(pc) =	sbr.rel $0x88, $3  }
0x1: {  	(tag) =	ssettag $0x0;
	lr =	simm.s32 $0x1  }
0x2: {  	[smem:$0x3F9B] =	sst lr;
	_ =	strace $0xD0000000  }
0x3: {  	_ = 	snop  }
0x4: {  	_ = 	snop  }
0x5: {  	_ = 	snop  }
0x6: {  	_ = 	snop  }
0x7: {  	_ = 	snop  }
__scs_overlays_trampoline_lowered:
0x8: {  	[smem:$0x3FAA] =	sst s0  }
0x9: {  	[smem:$0x3FAB] =	sst s1  }
0xa: {  	[smem:$0x3FAC] =	sst s2  }
0xb: {  	[smem:$0x3FAD] =	sst s3  }
0xc: {  	[smem:$0x3FAE] =	sst s4  }
0xd: {  	[smem:$0x3FAF] =	sst s5  }
0xe: {  	[smem:$0x3FB0] =	sst s6  }
0xf: {  	[smem:$0x3FB1] =	sst s7  }
0x10: {  	[smem:$0x3FB2] =	sst s8  }
0x11: {  	[smem:$0x3FB3] =	sst s9;
	s0 =	simm.s32 @!p0 $0x0  }
0x12: {  	s1 =	sld [smem:$0x3F99];
	s0 =	simm.s32 @p0 $0x1  }
0x13: {  	[smem:$0x3FB4] =	sst s0;
	s0 =	simm.s32 @!p1 $0x0  }
0x14: {  	s2 =	sld [smem:$0x3F98];
	s0 =	simm.s32 @p1 $0x1  }
0x15: {  	[smem:$0x3FB5] =	sst s0;
	s0 =	simm.s32 @!p2 $0x0  }
0x16: {  	s3 =	sld [smem:$0x3FDB];
	s0 =	simm.s32 @p2 $0x1  }
0x17: {  	s4 =	simm.s32 $0x1BF5;
	[smem:$0x3FB7] =	sst s0  }
0x18: {  	s0 =	sld [smem:$0x3F9A];
	_ =	swait.ge [sflag:s4], $0x0  }
0x19: {  	s7 =	sld [smem:$0x3F9B]  }
0x1a: {  	s8 =	sadd.s32 $0xFFFFE003, lr  }
0x1b: {  	s9 =	sadd.s32 $0xFFFFFEF7, lr;
	s5 =	simm.s32 $0xFFFFFFFF;
	p2 =	slt.u32 s8, $0xFFFFF086  }
0x1c: {  	p1 =	slt.u32 s9, $0xF7A;
	s5 =	simm.s32 @!p2 $0x0  }
0x1d: {  	s5 =	simm.s32 @p1 $0x1;
	p0 =	seq.s32 s7, s2  }
0x1e: {  	s7 =	smul.u32 @!p0 $0xF7A, s2;
	p2 =	seq.s32 @!p0 s5, $0x0  }
0x1f: {  	s9 =	smul.u32 $0xF7A, s1;
	s8 =	simm.s32 @!p0 $0x1BF5;
	p2 =	por !p2, p0  }
0x20: {  	[sflag:s8] =	ssyncset.s32 @!p0 $0xFFFFF086;
	s6 =	sadd.s32 @!p0 s3, s7;
	s7 =	simm.s32 @!p0 $0x108  }
0x21: {  	s3 =	sadd.s32 s3, s9;
	s6 =	sadd.s32 @!p0 $0x88, s6;
	s7 =	simm.s32 @p2 $0x1082  }
0x22: {  	[simem:s7], [sflag:s8] =	dma.local @!p0 [hbm:s6], $0xF7A  }
0x23: {  	s9 =	sor.u32 $0xD0000000, s2;
	s6 =	simm.s32 $0x108;
	_ =	swait.ge @!p0 [sflag:s8], $0x0  }
0x24: {  	s3 =	sadd.s32 $0x88, s3;
	s6 =	simm.s32 @!p1 $0x1082;
	[sflag:s4] =	ssyncset.s32 $0xFFFFF086  }
0x25: {  	[simem:s6], [sflag:s4] =	dma.local [hbm:s3], $0xF7A  }
0x26: {  	[smem:$0x3F9B] =	sst s1;
	(tag) =	ssettag s2;
	_ =	strace s9  }
0x27: {  	s1 =	sld [smem:$0x3FAB]  }
0x28: {  	s2 =	sld [smem:$0x3FAC]  }
0x29: {  	s4 =	sld [smem:$0x3FAE]  }
0x2a: {  	p0 =	seq.s32 s5, $0x0;
	s5 =	sld [smem:$0x3FAF]  }
0x2b: {  	s6 =	sld [smem:$0x3FB0]  }
0x2c: {  	s7 =	sld [smem:$0x3FB1]  }
0x2d: {  	s3 =	simm.s32 $0x108;
	s8 =	sld [smem:$0x3FB2]  }
0x2e: {  	s3 =	simm.s32 @!p0 $0x1082;
	s9 =	sld [smem:$0x3FB3]  }
0x2f: {  	lr =	sadd.s32 s0, s3;
	s0 =	sld [smem:$0x3FAA]  }
0x30: {  	s3 =	sld [smem:$0x3FAD]  }
0x31: {  	[smem:$0x3FB6] =	sst s10  }
0x32: {  	s10 =	sld [smem:$0x3FB4];
	_ =	sdelay $0x3  }
0x33: {  	p0 =	seq.s32 s10, $0x1;
	s10 =	sld [smem:$0x3FB6];
	_ =	sdelay $0x3  }
0x34: {  	[smem:$0x3FB6] =	sst s10  }
0x35: {  	s10 =	sld [smem:$0x3FB5];
	_ =	sdelay $0x3  }
0x36: {  	p1 =	seq.s32 s10, $0x1;
	s10 =	sld [smem:$0x3FB6];
	_ =	sdelay $0x3  }
0x37: {  	[smem:$0x3FB6] =	sst s10  }
0x38: {  	s10 =	sld [smem:$0x3FB7]  }
0x39: {  	_ = 	snop;
	(pc) =	sbr.ind lr, $3  }
0x3a: {  	_ = 	snop  }
0x3b: {  	_ = 	snop  }
0x3c: {  	p2 =	seq.s32 s10, $0x1;
	s10 =	sld [smem:$0x3FB6]  }
0x3d: {  	_ =	shalt  }
0x3e: {  	_ =	shalt  }
0x3f: {  	_ =	shalt  }
0x40: {  	_ =	shalt  }
0x41: {  	_ =	shalt  }
0x42: {  	_ =	shalt  }
0x43: {  	_ =	shalt  }
0x44: {  	_ =	shalt  }
0x45: {  	_ =	shalt  }
0x46: {  	_ =	shalt  }
0x47: {  	_ =	shalt  }
0x48: {  	_ =	shalt  }
0x49: {  	_ =	shalt  }
0x4a: {  	_ =	shalt  }
0x4b: {  	_ =	shalt  }
0x4c: {  	_ =	shalt  }
0x4d: {  	_ =	shalt  }
0x4e: {  	_ =	shalt  }
0x4f: {  	_ =	shalt  }
0x50: {  	_ =	shalt  }
0x51: {  	_ =	shalt  }
0x52: {  	_ =	shalt  }
0x53: {  	_ =	shalt  }
0x54: {  	_ =	shalt  }
0x55: {  	_ =	shalt  }
0x56: {  	_ =	shalt  }
0x57: {  	_ =	shalt  }
0x58: {  	_ =	shalt  }
0x59: {  	_ =	shalt  }
0x5a: {  	_ =	shalt  }
0x5b: {  	_ =	shalt  }
0x5c: {  	_ =	shalt  }
0x5d: {  	_ =	shalt  }
0x5e: {  	_ =	shalt  }
0x5f: {  	_ =	shalt  }
0x60: {  	_ =	shalt  }
0x61: {  	_ =	shalt  }
0x62: {  	_ =	shalt  }
0x63: {  	_ =	shalt  }
0x64: {  	_ =	shalt  }
0x65: {  	_ =	shalt  }
0x66: {  	_ =	shalt  }
0x67: {  	_ =	shalt  }
0x68: {  	_ =	shalt  }
0x69: {  	_ =	shalt  }
0x6a: {  	_ =	shalt  }
0x6b: {  	_ =	shalt  }
0x6c: {  	_ =	shalt  }
0x6d: {  	_ =	shalt  }
0x6e: {  	_ =	shalt  }
0x6f: {  	_ =	shalt  }
0x70: {  	_ =	shalt  }
0x71: {  	_ =	shalt  }
0x72: {  	_ =	shalt  }
0x73: {  	_ =	shalt  }
0x74: {  	_ =	shalt  }
0x75: {  	_ =	shalt  }
0x76: {  	_ =	shalt  }
0x77: {  	_ =	shalt  }
0x78: {  	_ =	shalt  }
0x79: {  	_ =	shalt  }
0x7a: {  	_ =	shalt  }
0x7b: {  	_ =	shalt  }
0x7c: {  	_ =	shalt  }
0x7d: {  	_ =	shalt  }
0x7e: {  	_ =	shalt  }
0x7f: {  	_ =	shalt  }
0x80: {  	_ =	shalt  }
0x81: {  	_ =	shalt  }
0x82: {  	_ =	shalt  }
0x83: {  	_ =	shalt  }
0x84: {  	_ =	shalt  }
0x85: {  	_ =	shalt  }
0x86: {  	_ =	shalt  }
0x87: {  	_ =	shalt  }
.Lfunc_end0:
.L_simem_size_0:
called_computation_lowered:
.L_overlay_start_0:
0x88: {  	s2 =	sld [smem:$0x3FD9]  }
0x89: {  	s3 =	sld [smem:$0x3FFE];
	_ =	sdelay $0x1  }
0x8a: {  	s1 =	srdreg.scid  }
0x8b: {  	s0 =	sand.u32 $0x1, s1  }
0x8c: {  	s17 =	sshll.u32 s0, $0xA;
	s2 =	sadd.s32 s3, s2  }
0x8d: {  	s2 =	sadd.s32 s2, s17  }
0x8e: {  	[smem:$0x3FC2] =	sst s2  }
0x8f: {  	_ = 	snop  }
0x90: {  	s2 =	sld [smem:$0x3FC9]  }
0x91: {  	s18 =	sld [smem:$0x3FD0];
	(tm) =	ssettm $0x1  }
0x92: {  	s4 =	sld [smem:$0x3FFB];
	_ =	sdelay $0x3  }
0x93: {  	_ =	strace s4  }
0x94: {  	s4 =	sld [smem:$0x3FFC];
	_ =	sdelay $0x3  }
0x95: {  	_ =	strace s4  }
0x96: {  	s4 =	sld [smem:$0x3FFD];
	_ =	sdelay $0x3  }
0x97: {  	_ =	strace s4  }
0x98: {  	_ =	strace $0x8FFFFFFF  }
0x99: {  	s19 =	sld [smem:$0x3FDB];
	_ =	sdelay $0x1  }
0x9a: {  	s5 =	simm.s32 $_scs_section_size  }
0x9b: {  	s6 =	simm.s32 $_size__tile_overlayer_lowered;
	s7 =	simm.s32 $_tile_overlayer_lowered  }
0x9c: {  	s22 =	simm.s32 $0x1BFF;
	s21 =	sshll.u32 s7, $0x1;
	s4 =	sadd.s32 s5, s19  }
0x9d: {  	s8 =	simm.s32 $0x0;
	s20 =	sshll.u32 s6, $0x1;
	s6 =	sadd.s32 s21, s4  }
0x9e: {  	[timem:s8], [sflag:s22] =	dma.local [hbm:s6], s20  }
0x9f: {  	_ =	swait.ge [sflag:s22], s20  }
0xa0: {  	s5 =	ssub.s32 $0x0, s20;
	[sflag:s22] =	ssyncset.done $0x0  }
0xa1: {  	[sflag:s22] =	ssyncadd.s32 s5;
	_ =	sdelay $0x1  }
0xa2: {  	s23 =	simm.s32 $0x1B8B  }
0xa3: {  	_ =	swait.ge [sflag:s23], $0x1  }
0xa4: {  	[sflag:s23] =	ssyncset.done $0x0  }
0xa5: {  	s25 =	simm.s32 $0x1B8E;
	s24 =	sld [smem:$0x3FFE];
	[sflag:s23] =	ssyncadd.s32 $0xFFFFFFFF  }
0xa6: {  	s26 =	simm.s32 $execute0_lowered;
	[smem:$0x3FD2] =	sst s25  }
0xa7: {  	s6 =	sshll.u32 s26, $0x1;
	_ =	strace $0x80000046;
	[dreg:$0x1] =	wrdreg $0xFFFFFFFF  }
0xa8: {  	s28 =	simm.s32 $_size_execute0_lowered;
	s4 =	sadd.s32 s4, s6;
	[dreg:$0x0] =	wrdreg $0x0  }
0xa9: {  	s6 =	sshll.u32 s28, $0x1;
	[dreg:$0x2] =	wrdreg s4  }
0xaa: {  	[dreg:$0x3] =	wrdreg s6  }
0xab: {  	[dreg:$0x4] =	wrdreg $0xC0  }
0xac: {  	_ =	task [dreg:s8], $0x5FFFF  }
0xad: {  	[dreg:$0x1] =	wrdreg $0xFFFFFFFF  }
0xae: {  	[dreg:$0x0] =	wrdreg $0x60  }
0xaf: {  	[dreg:$0x2] =	wrdreg s2  }
0xb0: {  	[dreg:$0x3] =	wrdreg s24  }
0xb1: {  	[dreg:$0x4] =	wrdreg s18  }
0xb2: {  	[dreg:$0x5] =	wrdreg $0x9  }
0xb3: {  	_ =	task.clear_ibuf [dreg:s8], $0x6FFFF;
	_ =	strace $0x90000046  }
0xb4: {  	s29 =	simm.s32 $0x9;
	_ =	strace $0x80000048  }
0xb5: {  	_ =	swait.ge [sflag:s29], $0x1  }
0xb6: {  	[sflag:s29] =	ssyncadd.s32 $0xFFFFFFFF  }
0xb7: {  	_ =	strace $0x90000048  }
0xb8: {  	_ =	sfence  }
0xb9: {  	s30 =	sld [smem:$0x0];
	_ =	sdelay $0x2  }
0xba: {  	s31 =	sshll.u32 s1, $0xD;
	s1 =	sshrl.u32 s1, $0x2  }
0xbb: {  	s3 =	sand.u32 $0x4000, s31;
	s1 =	sadd.s32 s1, s30  }
0xbc: {  	s0 =	sor.u32 s3, s0;
	s1 =	sshll.u32 s1, $0x11  }
0xbd: {  	s0 =	sor.u32 s1, s0  }
0xbe: {  	s0 =	sadd.s32 $0x8F2B, s0  }
0xbf: {  	[sflag:s0] =	ssyncadd.remote.s32 $0x1  }
0xc0: {  	_ =	sfence.sel $0xFFFF  }
0xc1: {  	[dreg:$0x0] =	wrdreg $0xFFFFFFFF;
	(pc) =	sbr.abs _section_cstart, $3  }
0xc2: {  	[dreg:$0x1] =	wrdreg $0xFFFFFFFF  }
0xc3: {  	_ =	task.clear_ibuf [dreg:s8], $0x2FFFF;
	_ =	strace $0x9FFFFFFF  }
0xc4: {  	(tm) =	ssettm $0x7FFFFFFF  }
0xc5: {  	_ =	shalt  }
tec
execute0_lowered:
.L_overlay_start_1:
0x0: {  	(tag) =	ssettag $0x1  }
0x1: {  	s3 =	rddreg [dreg:$0x0]  }
0x2: {  	s1 =	rddreg [dreg:$0x1]  }
0x3: {  	s2 =	srdreg.scid;
	s20 =	rddreg [dreg:$0x2]  }
0x4: {  	s4 =	sand.u32 $0x1, s2;
	[dreg:$0x4] =	wrdreg s20;
	s2 =	simm.s32 $0x0  }
0x5: {  	s22 =	simm.s32 $0x880;
	[smem:$0x7FF] =	sst s2  }
0x6: {  	s23 =	simm.s32 $0x1080;
	_ =	strace $0x80000047;
	[dreg:$0x8] =	wrdreg s22  }
0x7: {  	s24 =	simm.s32 $0x1880;
	[dreg:$0x9] =	wrdreg s23  }
0x8: {  	s25 =	simm.s32 $0x2080;
	[dreg:$0xa] =	wrdreg s24  }
0x9: {  	s0 =	stileid.u32;
	s26 =	simm.s32 $0x2880;
	[dreg:$0xb] =	wrdreg s25  }
0xa: {  	s5 =	sshll.u32 s0, $0x8;
	s0 =	simm.s32 $0x3080;
	[dreg:$0xc] =	wrdreg s26  }
0xb: {  	s8 =	simm.s32 $0x5080;
	[dreg:$0xd] =	wrdreg s0  }
0xc: {  	s9 =	simm.s32 $0x5880;
	[dreg:$0x11] =	wrdreg s8  }
0xd: {  	s10 =	simm.s32 $0x6080;
	[dreg:$0x12] =	wrdreg s9  }
0xe: {  	s11 =	simm.s32 $0x6880;
	[dreg:$0x13] =	wrdreg s10  }
0xf: {  	s12 =	simm.s32 $0x7080;
	[dreg:$0x14] =	wrdreg s11  }
0x10: {  	s13 =	simm.s32 $0x7880;
	[dreg:$0x15] =	wrdreg s12  }
0x11: {  	s14 =	simm.s32 $0x8080;
	s15 =	simm.s32 $0x8880;
	[dreg:$0x16] =	wrdreg s13  }
0x12: {  	s16 =	simm.s32 $0x9080;
	s17 =	simm.s32 $0x9880;
	[dreg:$0x17] =	wrdreg s14  }
0x13: {  	s18 =	simm.s32 $0xA080;
	s28 =	simm.s32 $0x16880;
	[dreg:$0x18] =	wrdreg s15  }
0x14: {  	s29 =	simm.s32 $0x17080;
	s30 =	simm.s32 $0x17880;
	[dreg:$0x19] =	wrdreg s16  }
0x15: {  	s31 =	simm.s32 $0x1;
	s20 =	simm.s32 $0xA880;
	[dreg:$0x1a] =	wrdreg s17  }
0x16: {  	s6 =	sshll.u32 s4, $0x7;
	s4 =	ssub.s32 $0x2, s4;
	[dreg:$0x1b] =	wrdreg s18  }
0x17: {  	s5 =	sor.u32 s6, s5;
	s19 =	sshrl.u32 s4, $0x1;
	[dreg:$0x1c] =	wrdreg s20  }
0x18: {  	s22 =	simm.s32 $0xB880;
	s23 =	simm.s32 $0xC080;
	s24 =	simm.s32 $0xC880  }
0x19: {  	s25 =	simm.s32 $0xD080;
	s8 =	simm.s32 $0x80;
	s26 =	simm.s32 $0xD880  }
0x1a: {  	s9 =	simm.s32 $0x18080;
	s11 =	simm.s32 $0xE880;
	s12 =	simm.s32 $0xF080  }
0x1b: {  	s13 =	simm.s32 $0xF880;
	s14 =	simm.s32 $0x10080;
	[dreg:$0x1e] =	wrdreg s22  }
0x1c: {  	s15 =	simm.s32 $0x10880;
	s16 =	simm.s32 $0x11080;
	[dreg:$0x1f] =	wrdreg s23  }
0x1d: {  	s17 =	simm.s32 $0x11880;
	s18 =	simm.s32 $0x12080;
	[smem:$0x7FB] =	sst s24  }
0x1e: {  	s20 =	simm.s32 $0x13080;
	s6 =	sshrl.u32 s5, $0x3;
	[smem:$0x7FC] =	sst s25  }
0x1f: {  	s5 =	sshll.u32 s5, $0x4;
	[smem:$0x7FD] =	sst s26;
	s7 =	sadd.s32 s6, s1  }
0x20: {  	s22 =	simm.s32 $0x14080;
	s5 =	sadd.s32 s5, s1;
	s7 =	sadd.s32 $0x11600, s7  }
0x21: {  	s6 =	smul.u32 $0x300, s6;
	s21 =	sadd.s32 $0x1600, s5;
	[dreg:$0x5] =	wrdreg s7  }
0x22: {  	s23 =	simm.s32 $0x14880;
	s5 =	simm.s32 $0x3880;
	[dreg:$0x7] =	wrdreg s21  }
0x23: {  	s24 =	simm.s32 $0x15080;
	s3 =	sadd.s32 s3, s6;
	[dreg:$0xe] =	wrdreg s5  }
0x24: {  	s25 =	simm.s32 $0x15880;
	s6 =	simm.s32 $0x4080;
	[dreg:$0x6] =	wrdreg s3  }
0x25: {  	s26 =	simm.s32 $0x16080;
	s7 =	simm.s32 $0x4880;
	[dreg:$0xf] =	wrdreg s6  }
0x26: {  	s21 =	simm.s32 $0xB080;
	s5 =	sadd.s32 $0x11A00, s1;
	[dreg:$0x10] =	wrdreg s7  }
0x27: {  	v2 =	vlaneseq.u32;
	s3 =	sadd.s32 $0x11800, s1;
	s6 =	ssub.s32 s4, s19;
	s4 =	sadd.s32 $0x11900, s1  }
0x28: {  	vm0 =	vmmov $0xffff;
	v1 =	vshrl.u32 v2, $0x3;
	[dreg:$0x1d] =	wrdreg s21;
	s7 =	simm.s32 $0x3;
	s19 =	simm.s32 $0x12880  }
0x29: {  	v0 =	vand.u32 $0x7, v2;
	v2 =	vor.u32 $0x8, v2;
	v1 =	vmul.u32 $0x8, v1;
	s21 =	simm.s32 $0x13880;
	s1 =	simm.s32 $0x2;
	s6 =	smax.u32 s6, $0x1  }
.LBB2_1:
0x2a: {  	s0 =	rddreg [dreg:$0x5]  }
0x2b: {  	[tilespmem:s2], [sflag:$0x3] =	stream.linear.gather [hbm4b:s0+s2], $0x80, $0x38;
	[tilespmem:$0x1C080] =	vst v63  }
0x2c: {  	_ =	swait.ge [sflag:s7], $0x80  }
0x2d: {  	[sflag:s7] =	ssyncset.done $0x0  }
0x2e: {  	s10 =	rddreg [dreg:$0x6];
	[sflag:s7] =	ssyncadd.s32 $0xFFFFFF80  }
0x2f: {  	[tilespmem:s8], [sflag:$0x3] =	stream.linear.gather [hbm4b:s10+s2], $0x18000, $0x38;
	[tilespmem:$0x1C080] =	vst v63  }
0x30: {  	_ =	swait.ge [sflag:s7], $0x18000  }
0x31: {  	[sflag:s7] =	ssyncset.done $0x0  }
0x32: {  	s10 =	rddreg [dreg:$0x7];
	[sflag:s7] =	ssyncadd.s32 $0xFFFE8000  }
0x33: {  	[tilespmem:s9], [sflag:$0x3] =	stream.linear.gather [hbm4b:s10+s2], $0x4000, $0x38;
	[tilespmem:$0x1C080] =	vst v63  }
0x34: {  	_ =	swait.ge [sflag:s7], $0x4000  }
0x35: {  	[sflag:s7] =	ssyncset.done $0x0  }
0x36: {  	[sflag:s7] =	ssyncadd.s32 $0xFFFFC000  }
0x37: {  	v3 =	vld [tilespmem:$0x0];
	_ =	sdelay $0x4  }
0x38: {  	v4 =	vshrl.u32 v3, $0x3  }
0x39: {  	v4 =	vmul.u32 $0x30, v4  }
0x3a: {  	v3 =	vand.u32 $0x7, v3  }
0x3b: {  	v3 =	vor.u32 v3, v4  }
0x3c: {  	v4 =	vperm.xlane v3, v0;
	_ =	sdelay $0x1  }
0x3d: {  	v4 =	vadd.s32 v1, v4;
	_ =	sdelay $0x3  }
0x3e: {  	v3 =	vperm.xlane v3, v2  }
0x3f: {  	[hbm4b:s3+s2] =	stream.indirect_vreg.scatter [tilespmem:s8], [sflag:$0x1], $0x80, v4, vm0, $0xb8;
	[tilespmem:$0x1C080] =	vst v63  }
0x40: {  	s0 =	rddreg [dreg:$0x8];
	v3 =	vadd.s32 v1, v3  }
0x41: {  	[hbm4b:s4+s2] =	stream.indirect_vreg.scatter [tilespmem:s0], [sflag:$0x1], $0x80, v4, vm0, $0xb8;
	[tilespmem:$0x1C080] =	vst v63  }
0x42: {  	s10 =	rddreg [dreg:$0x9]  }
0x43: {  	[hbm4b:s5+s2] =	stream.indirect_vreg.scatter [tilespmem:s10], [sflag:$0x1], $0x80, v4, vm0, $0xb8;
	[tilespmem:$0x1C080] =	vst v63  }
0x44: {  	s0 =	rddreg [dreg:$0xa]  }
0x45: {  	[hbm4b:s3+s2] =	stream.indirect_vreg.scatter [tilespmem:s0], [sflag:$0x1], $0x80, v3, vm0, $0xb8;
	[tilespmem:$0x1C080] =	vst v63  }
0x46: {  	s10 =	rddreg [dreg:$0xb]  }
0x47: {  	[hbm4b:s4+s2] =	stream.indirect_vreg.scatter [tilespmem:s10], [sflag:$0x1], $0x80, v3, vm0, $0xb8;
	[tilespmem:$0x1C080] =	vst v63  }
0x48: {  	s0 =	rddreg [dreg:$0xc]  }
0x49: {  	[hbm4b:s5+s2] =	stream.indirect_vreg.scatter [tilespmem:s0], [sflag:$0x1], $0x80, v3, vm0, $0xb8;
	[tilespmem:$0x1C080] =	vst v63  }
0x4a: {  	v3 =	vld [tilespmem:$0x10];
	_ =	sdelay $0x4  }
0x4b: {  	v57 =	vshrl.u32 v3, $0x3  }
0x4c: {  	v4 =	vmul.u32 $0x30, v57  }
0x4d: {  	v3 =	vand.u32 $0x7, v3  }
0x4e: {  	v3 =	vor.u32 v3, v4  }
0x4f: {  	v4 =	vperm.xlane v3, v0;
	_ =	sdelay $0x1  }
0x50: {  	v4 =	vadd.s32 v1, v4;
	_ =	sdelay $0x3  }
0x51: {  	s0 =	rddreg [dreg:$0xd];
	v3 =	vperm.xlane v3, v2  }
0x52: {  	[hbm4b:s3+s2] =	stream.indirect_vreg.scatter [tilespmem:s0], [sflag:$0x1], $0x80, v4, vm0, $0xb8;
	[tilespmem:$0x1C080] =	vst v63  }
0x53: {  	s10 =	rddreg [dreg:$0xe];
	v3 =	vadd.s32 v1, v3  }
0x54: {  	[hbm4b:s4+s2] =	stream.indirect_vreg.scatter [tilespmem:s10], [sflag:$0x1], $0x80, v4, vm0, $0xb8;
	[tilespmem:$0x1C080] =	vst v63  }
0x55: {  	s0 =	rddreg [dreg:$0xf]  }
0x56: {  	[hbm4b:s5+s2] =	stream.indirect_vreg.scatter [tilespmem:s0], [sflag:$0x1], $0x80, v4, vm0, $0xb8;
	[tilespmem:$0x1C080] =	vst v63  }
0x57: {  	s10 =	rddreg [dreg:$0x10]  }
0x58: {  	[hbm4b:s3+s2] =	stream.indirect_vreg.scatter [tilespmem:s10], [sflag:$0x1], $0x80, v3, vm0, $0xb8;
	[tilespmem:$0x1C080] =	vst v63  }
0x59: {  	s0 =	rddreg [dreg:$0x11]  }
0x5a: {  	[hbm4b:s4+s2] =	stream.indirect_vreg.scatter [tilespmem:s0], [sflag:$0x1], $0x80, v3, vm0, $0xb8;
	[tilespmem:$0x1C080] =	vst v63  }
0x5b: {  	s10 =	rddreg [dreg:$0x12]  }
0x5c: {  	[hbm4b:s5+s2] =	stream.indirect_vreg.scatter [tilespmem:s10], [sflag:$0x1], $0x80, v3, vm0, $0xb8;
	[tilespmem:$0x1C080] =	vst v63  }
0x5d: {  	v3 =	vld [tilespmem:$0x20];
	_ =	sdelay $0x4  }
0x5e: {  	v58 =	vshrl.u32 v3, $0x3  }
0x5f: {  	v4 =	vmul.u32 $0x30, v58  }
0x60: {  	v3 =	vand.u32 $0x7, v3  }
0x61: {  	v3 =	vor.u32 v3, v4  }
0x62: {  	v4 =	vperm.xlane v3, v0;
	_ =	sdelay $0x1  }
0x63: {  	v4 =	vadd.s32 v1, v4;
	_ =	sdelay $0x3  }
0x64: {  	s0 =	rddreg [dreg:$0x13];
	v3 =	vperm.xlane v3, v2  }
0x65: {  	[hbm4b:s3+s2] =	stream.indirect_vreg.scatter [tilespmem:s0], [sflag:$0x1], $0x80, v4, vm0, $0xb8;
	[tilespmem:$0x1C080] =	vst v63  }
0x66: {  	s10 =	rddreg [dreg:$0x14];
	v3 =	vadd.s32 v1, v3  }
0x67: {  	[hbm4b:s4+s2] =	stream.indirect_vreg.scatter [tilespmem:s10], [sflag:$0x1], $0x80, v4, vm0, $0xb8;
	[tilespmem:$0x1C080] =	vst v63  }
0x68: {  	s0 =	rddreg [dreg:$0x15]  }
0x69: {  	[hbm4b:s5+s2] =	stream.indirect_vreg.scatter [tilespmem:s0], [sflag:$0x1], $0x80, v4, vm0, $0xb8;
	[tilespmem:$0x1C080] =	vst v63  }
0x6a: {  	s10 =	rddreg [dreg:$0x16]  }
0x6b: {  	[hbm4b:s3+s2] =	stream.indirect_vreg.scatter [tilespmem:s10], [sflag:$0x1], $0x80, v3, vm0, $0xb8;
	[tilespmem:$0x1C080] =	vst v63  }
0x6c: {  	s0 =	rddreg [dreg:$0x17]  }
0x6d: {  	[hbm4b:s4+s2] =	stream.indirect_vreg.scatter [tilespmem:s0], [sflag:$0x1], $0x80, v3, vm0, $0xb8;
	[tilespmem:$0x1C080] =	vst v63  }
0x6e: {  	s10 =	rddreg [dreg:$0x18]  }
0x6f: {  	[hbm4b:s5+s2] =	stream.indirect_vreg.scatter [tilespmem:s10], [sflag:$0x1], $0x80, v3, vm0, $0xb8;
	[tilespmem:$0x1C080] =	vst v63  }
0x70: {  	v3 =	vld [tilespmem:$0x30];
	_ =	sdelay $0x4  }
0x71: {  	v59 =	vshrl.u32 v3, $0x3  }
0x72: {  	v4 =	vmul.u32 $0x30, v59  }
0x73: {  	v3 =	vand.u32 $0x7, v3  }
0x74: {  	v3 =	vor.u32 v3, v4  }
0x75: {  	v4 =	vperm.xlane v3, v0;
	_ =	sdelay $0x1  }
0x76: {  	v4 =	vadd.s32 v1, v4;
	_ =	sdelay $0x3  }
0x77: {  	s0 =	rddreg [dreg:$0x19];
	v3 =	vperm.xlane v3, v2  }
0x78: {  	[hbm4b:s3+s2] =	stream.indirect_vreg.scatter [tilespmem:s0], [sflag:$0x1], $0x80, v4, vm0, $0xb8;
	[tilespmem:$0x1C080] =	vst v63  }
0x79: {  	s10 =	rddreg [dreg:$0x1a];
	v3 =	vadd.s32 v1, v3  }
0x7a: {  	[hbm4b:s4+s2] =	stream.indirect_vreg.scatter [tilespmem:s10], [sflag:$0x1], $0x80, v4, vm0, $0xb8;
	[tilespmem:$0x1C080] =	vst v63  }
0x7b: {  	s0 =	rddreg [dreg:$0x1b]  }
0x7c: {  	[hbm4b:s5+s2] =	stream.indirect_vreg.scatter [tilespmem:s0], [sflag:$0x1], $0x80, v4, vm0, $0xb8;
	[tilespmem:$0x1C080] =	vst v63  }
0x7d: {  	s10 =	rddreg [dreg:$0x1c]  }
0x7e: {  	[hbm4b:s3+s2] =	stream.indirect_vreg.scatter [tilespmem:s10], [sflag:$0x1], $0x80, v3, vm0, $0xb8;
	[tilespmem:$0x1C080] =	vst v63  }
0x7f: {  	s0 =	rddreg [dreg:$0x1d]  }
0x80: {  	[hbm4b:s4+s2] =	stream.indirect_vreg.scatter [tilespmem:s0], [sflag:$0x1], $0x80, v3, vm0, $0xb8;
	[tilespmem:$0x1C080] =	vst v63  }
0x81: {  	s10 =	rddreg [dreg:$0x1e]  }
0x82: {  	[hbm4b:s5+s2] =	stream.indirect_vreg.scatter [tilespmem:s10], [sflag:$0x1], $0x80, v3, vm0, $0xb8;
	[tilespmem:$0x1C080] =	vst v63  }
0x83: {  	v3 =	vld [tilespmem:$0x40];
	_ =	sdelay $0x4  }
0x84: {  	v60 =	vshrl.u32 v3, $0x3  }
0x85: {  	v4 =	vmul.u32 $0x30, v60  }
0x86: {  	v3 =	vand.u32 $0x7, v3  }
0x87: {  	v3 =	vor.u32 v3, v4  }
0x88: {  	v4 =	vperm.xlane v3, v0;
	_ =	sdelay $0x1  }
0x89: {  	v4 =	vadd.s32 v1, v4;
	_ =	sdelay $0x2  }
0x8a: {  	s0 =	rddreg [dreg:$0x1f]  }
0x8b: {  	s10 =	sld [smem:$0x7FB];
	v3 =	vperm.xlane v3, v2  }
0x8c: {  	[hbm4b:s3+s2] =	stream.indirect_vreg.scatter [tilespmem:s0], [sflag:$0x1], $0x80, v4, vm0, $0xb8;
	[tilespmem:$0x1C080] =	vst v63  }
0x8d: {  	v3 =	vadd.s32 v1, v3;
	s0 =	sld [smem:$0x7FC]  }
0x8e: {  	[hbm4b:s4+s2] =	stream.indirect_vreg.scatter [tilespmem:s10], [sflag:$0x1], $0x80, v4, vm0, $0xb8;
	[tilespmem:$0x1C080] =	vst v63  }
0x8f: {  	s10 =	sld [smem:$0x7FD]  }
0x90: {  	[hbm4b:s5+s2] =	stream.indirect_vreg.scatter [tilespmem:s0], [sflag:$0x1], $0x80, v4, vm0, $0xb8;
	[tilespmem:$0x1C080] =	vst v63  }
0x91: {  	_ = 	snop  }
0x92: {  	[hbm4b:s3+s2] =	stream.indirect_vreg.scatter [tilespmem:s10], [sflag:$0x1], $0x80, v3, vm0, $0xb8;
	[tilespmem:$0x1C080] =	vst v63  }
0x93: {  	s10 =	simm.s32 $0xE080  }
0x94: {  	[hbm4b:s4+s2] =	stream.indirect_vreg.scatter [tilespmem:s10], [sflag:$0x1], $0x80, v3, vm0, $0xb8;
	[tilespmem:$0x1C080] =	vst v63  }
0x95: {  	_ = 	snop  }
0x96: {  	[hbm4b:s5+s2] =	stream.indirect_vreg.scatter [tilespmem:s11], [sflag:$0x1], $0x80, v3, vm0, $0xb8;
	[tilespmem:$0x1C080] =	vst v63  }
0x97: {  	v3 =	vld [tilespmem:$0x50];
	_ =	sdelay $0x4  }
0x98: {  	v61 =	vshrl.u32 v3, $0x3  }
0x99: {  	v4 =	vmul.u32 $0x30, v61  }
0x9a: {  	v3 =	vand.u32 $0x7, v3  }
0x9b: {  	v3 =	vor.u32 v3, v4  }
0x9c: {  	v4 =	vperm.xlane v3, v0;
	_ =	sdelay $0x1  }
0x9d: {  	v4 =	vadd.s32 v1, v4;
	_ =	sdelay $0x3  }
0x9e: {  	v3 =	vperm.xlane v3, v2  }
0x9f: {  	[hbm4b:s3+s2] =	stream.indirect_vreg.scatter [tilespmem:s12], [sflag:$0x1], $0x80, v4, vm0, $0xb8;
	[tilespmem:$0x1C080] =	vst v63  }
0xa0: {  	v3 =	vadd.s32 v1, v3  }
0xa1: {  	[hbm4b:s4+s2] =	stream.indirect_vreg.scatter [tilespmem:s13], [sflag:$0x1], $0x80, v4, vm0, $0xb8;
	[tilespmem:$0x1C080] =	vst v63  }
0xa2: {  	_ = 	snop  }
0xa3: {  	[hbm4b:s5+s2] =	stream.indirect_vreg.scatter [tilespmem:s14], [sflag:$0x1], $0x80, v4, vm0, $0xb8;
	[tilespmem:$0x1C080] =	vst v63  }
0xa4: {  	_ = 	snop  }
0xa5: {  	[hbm4b:s3+s2] =	stream.indirect_vreg.scatter [tilespmem:s15], [sflag:$0x1], $0x80, v3, vm0, $0xb8;
	[tilespmem:$0x1C080] =	vst v63  }
0xa6: {  	_ = 	snop  }
0xa7: {  	[hbm4b:s4+s2] =	stream.indirect_vreg.scatter [tilespmem:s16], [sflag:$0x1], $0x80, v3, vm0, $0xb8;
	[tilespmem:$0x1C080] =	vst v63  }
0xa8: {  	_ = 	snop  }
0xa9: {  	[hbm4b:s5+s2] =	stream.indirect_vreg.scatter [tilespmem:s17], [sflag:$0x1], $0x80, v3, vm0, $0xb8;
	[tilespmem:$0x1C080] =	vst v63  }
0xaa: {  	v3 =	vld [tilespmem:$0x60];
	_ =	sdelay $0x4  }
0xab: {  	v62 =	vshrl.u32 v3, $0x3  }
0xac: {  	v4 =	vmul.u32 $0x30, v62  }
0xad: {  	v3 =	vand.u32 $0x7, v3  }
0xae: {  	v3 =	vor.u32 v3, v4  }
0xaf: {  	v4 =	vperm.xlane v3, v0;
	_ =	sdelay $0x1  }
0xb0: {  	v4 =	vadd.s32 v1, v4;
	_ =	sdelay $0x3  }
0xb1: {  	v3 =	vperm.xlane v3, v2  }
0xb2: {  	[hbm4b:s3+s2] =	stream.indirect_vreg.scatter [tilespmem:s18], [sflag:$0x1], $0x80, v4, vm0, $0xb8;
	[tilespmem:$0x1C080] =	vst v63  }
0xb3: {  	v3 =	vadd.s32 v1, v3  }
0xb4: {  	[hbm4b:s4+s2] =	stream.indirect_vreg.scatter [tilespmem:s19], [sflag:$0x1], $0x80, v4, vm0, $0xb8;
	[tilespmem:$0x1C080] =	vst v63  }
0xb5: {  	_ = 	snop  }
0xb6: {  	[hbm4b:s5+s2] =	stream.indirect_vreg.scatter [tilespmem:s20], [sflag:$0x1], $0x80, v4, vm0, $0xb8;
	[tilespmem:$0x1C080] =	vst v63  }
0xb7: {  	_ = 	snop  }
0xb8: {  	[hbm4b:s3+s2] =	stream.indirect_vreg.scatter [tilespmem:s21], [sflag:$0x1], $0x80, v3, vm0, $0xb8;
	[tilespmem:$0x1C080] =	vst v63  }
0xb9: {  	_ = 	snop  }
0xba: {  	[hbm4b:s4+s2] =	stream.indirect_vreg.scatter [tilespmem:s22], [sflag:$0x1], $0x80, v3, vm0, $0xb8;
	[tilespmem:$0x1C080] =	vst v63  }
0xbb: {  	_ = 	snop  }
0xbc: {  	[hbm4b:s5+s2] =	stream.indirect_vreg.scatter [tilespmem:s23], [sflag:$0x1], $0x80, v3, vm0, $0xb8;
	[tilespmem:$0x1C080] =	vst v63  }
0xbd: {  	v3 =	vld [tilespmem:$0x70];
	_ =	sdelay $0x4  }
0xbe: {  	v63 =	vshrl.u32 v3, $0x3  }
0xbf: {  	v4 =	vmul.u32 $0x30, v63  }
0xc0: {  	v3 =	vand.u32 $0x7, v3  }
0xc1: {  	v3 =	vor.u32 v3, v4  }
0xc2: {  	v4 =	vperm.xlane v3, v0;
	_ =	sdelay $0x1  }
0xc3: {  	v4 =	vadd.s32 v1, v4;
	_ =	sdelay $0x3  }
0xc4: {  	v3 =	vperm.xlane v3, v2  }
0xc5: {  	[hbm4b:s3+s2] =	stream.indirect_vreg.scatter [tilespmem:s24], [sflag:$0x1], $0x80, v4, vm0, $0xb8;
	[tilespmem:$0x1C080] =	vst v63  }
0xc6: {  	v3 =	vadd.s32 v1, v3  }
0xc7: {  	[hbm4b:s4+s2] =	stream.indirect_vreg.scatter [tilespmem:s25], [sflag:$0x1], $0x80, v4, vm0, $0xb8;
	[tilespmem:$0x1C080] =	vst v63  }
0xc8: {  	_ = 	snop  }
0xc9: {  	[hbm4b:s5+s2] =	stream.indirect_vreg.scatter [tilespmem:s26], [sflag:$0x1], $0x80, v4, vm0, $0xb8;
	[tilespmem:$0x1C080] =	vst v63  }
0xca: {  	_ = 	snop  }
0xcb: {  	[hbm4b:s3+s2] =	stream.indirect_vreg.scatter [tilespmem:s28], [sflag:$0x1], $0x80, v3, vm0, $0xb8;
	[tilespmem:$0x1C080] =	vst v63  }
0xcc: {  	_ = 	snop  }
0xcd: {  	[hbm4b:s4+s2] =	stream.indirect_vreg.scatter [tilespmem:s29], [sflag:$0x1], $0x80, v3, vm0, $0xb8;
	[tilespmem:$0x1C080] =	vst v63  }
0xce: {  	_ = 	snop  }
0xcf: {  	[hbm4b:s5+s2] =	stream.indirect_vreg.scatter [tilespmem:s30], [sflag:$0x1], $0x80, v3, vm0, $0xb8;
	[tilespmem:$0x1C080] =	vst v63  }
0xd0: {  	s10 =	rddreg [dreg:$0x4]  }
0xd1: {  	[hbm4b:s10+s8] =	stream.indirect.scatter [tilespmem:s9], [sflag:$0x2], $0x80, s2, s8, $0xb8;
	[tilespmem:$0x1C080] =	vst v63  }
0xd2: {  	p0 =	sne.s32 s6, $0x1;
	_ =	swait.ge [sflag:s31], $0x18000  }
.Ltmp0:
0xd3: {  	[sflag:s31] =	ssyncset.done $0x0;
	(pc) =	sbr.rel @p0 .LBB2_1-.Ltmp0, $4  }
0xd4: {  	[sflag:s31] =	ssyncadd.s32 $0xFFFE8000  }
0xd5: {  	_ =	swait.ge [sflag:s1], $0x4000  }
0xd6: {  	[sflag:s1] =	ssyncset.done $0x0  }
0xd7: {  	s6 =	sadd.s32 $0xFFFFFFFF, s6;
	[sflag:s1] =	ssyncadd.s32 $0xFFFFC000  }
0xd8: {  	_ =	sfence.sel $0x180000  }
0xd9: {  	[bflag:$0x0] =	sbarrier.arrive $0xFFFF  }
0xda: {  	_ =	strace $0x90000047  }
0xdb: {  	s0 =	stileid.u32;
	[bflag:$0x2] =	sbarrier.arrive $0xFFFF  }
0xdc: {  	p0 =	sne.s32 s0, $0x0;
	s0 =	rddreg [dreg:$0x3]  }
0xdd: {  	s0 =	sadd.s32 @!p0 $0x100000, s0  }
0xde: {  	[sflag:s0] =	ssyncadd.tile.s32 @!p0 $0x1;
	_ =	shalt  }
.Lfunc_end2:
_tile_overlayer_lowered:
.L_overlay_start_2:
0xdf: {  	(tag) =	ssettag $0x2  }
0xe0: {  	s0 =	rddreg [dreg:$0x0];
	s2 =	stileid.u32  }
0xe1: {  	s1 =	rddreg [dreg:$0x1];
	p0 =	sne.s32 s2, $0x0  }
0xe2: {  	s3 =	rddreg [dreg:$0x2];
	[bflag:$0x3] =	sbarrier.arrive $0xFFFF;
	s2 =	simm.s32 @!p0 $0x1C03  }
0xe3: {  	[timem:s3], [sflag:s2] =	dma.local @!p0 [hbm:s0], s1  }
0xe4: {  	s0 =	simm.s32 @!p0 $0x3  }
0xe5: {  	_ =	swait.ge @!p0 [sflag:s0], s1  }
0xe6: {  	s1 =	ssub.s32 @!p0 $0x0, s1;
	[sflag:s0] =	ssyncset.done @!p0 $0x0  }
0xe7: {  	[sflag:s0] =	ssyncadd.s32 @!p0 s1  }
0xe8: {  	[bflag:$0x3] =	sbarrier.arrive $0xFFFF  }
0xe9: {  	_ =	shalt  }

// kernel: kernel.9.cloned.1.call-start
scs
__scs_entry_jumppad:
0x0: {  	(pc) =	sbr.rel $0x88, $3  }
0x1: {  	(tag) =	ssettag $0x0;
	lr =	simm.s32 $0x1  }
0x2: {  	[smem:$0x3F9B] =	sst lr;
	_ =	strace $0xD0000000  }
0x3: {  	_ = 	snop  }
0x4: {  	_ = 	snop  }
0x5: {  	_ = 	snop  }
0x6: {  	_ = 	snop  }
0x7: {  	_ = 	snop  }
__scs_overlays_trampoline_lowered:
0x8: {  	[smem:$0x3FAA] =	sst s0  }
0x9: {  	[smem:$0x3FAB] =	sst s1  }
0xa: {  	[smem:$0x3FAC] =	sst s2  }
0xb: {  	[smem:$0x3FAD] =	sst s3  }
0xc: {  	[smem:$0x3FAE] =	sst s4  }
0xd: {  	[smem:$0x3FAF] =	sst s5  }
0xe: {  	[smem:$0x3FB0] =	sst s6  }
0xf: {  	[smem:$0x3FB1] =	sst s7  }
0x10: {  	[smem:$0x3FB2] =	sst s8  }
0x11: {  	[smem:$0x3FB3] =	sst s9;
	s0 =	simm.s32 @!p0 $0x0  }
0x12: {  	s1 =	sld [smem:$0x3F99];
	s0 =	simm.s32 @p0 $0x1  }
0x13: {  	[smem:$0x3FB4] =	sst s0;
	s0 =	simm.s32 @!p1 $0x0  }
0x14: {  	s2 =	sld [smem:$0x3F98];
	s0 =	simm.s32 @p1 $0x1  }
0x15: {  	[smem:$0x3FB5] =	sst s0;
	s0 =	simm.s32 @!p2 $0x0  }
0x16: {  	s3 =	sld [smem:$0x3FDB];
	s0 =	simm.s32 @p2 $0x1  }
0x17: {  	s4 =	simm.s32 $0x1BF5;
	[smem:$0x3FB7] =	sst s0  }
0x18: {  	s0 =	sld [smem:$0x3F9A];
	_ =	swait.ge [sflag:s4], $0x0  }
0x19: {  	s7 =	sld [smem:$0x3F9B]  }
0x1a: {  	s8 =	sadd.s32 $0xFFFFE003, lr  }
0x1b: {  	s9 =	sadd.s32 $0xFFFFFEF7, lr;
	s5 =	simm.s32 $0xFFFFFFFF;
	p2 =	slt.u32 s8, $0xFFFFF086  }
0x1c: {  	p1 =	slt.u32 s9, $0xF7A;
	s5 =	simm.s32 @!p2 $0x0  }
0x1d: {  	s5 =	simm.s32 @p1 $0x1;
	p0 =	seq.s32 s7, s2  }
0x1e: {  	s7 =	smul.u32 @!p0 $0xF7A, s2;
	p2 =	seq.s32 @!p0 s5, $0x0  }
0x1f: {  	s9 =	smul.u32 $0xF7A, s1;
	s8 =	simm.s32 @!p0 $0x1BF5;
	p2 =	por !p2, p0  }
0x20: {  	[sflag:s8] =	ssyncset.s32 @!p0 $0xFFFFF086;
	s6 =	sadd.s32 @!p0 s3, s7;
	s7 =	simm.s32 @!p0 $0x108  }
0x21: {  	s3 =	sadd.s32 s3, s9;
	s6 =	sadd.s32 @!p0 $0x88, s6;
	s7 =	simm.s32 @p2 $0x1082  }
0x22: {  	[simem:s7], [sflag:s8] =	dma.local @!p0 [hbm:s6], $0xF7A  }
0x23: {  	s9 =	sor.u32 $0xD0000000, s2;
	s6 =	simm.s32 $0x108;
	_ =	swait.ge @!p0 [sflag:s8], $0x0  }
0x24: {  	s3 =	sadd.s32 $0x88, s3;
	s6 =	simm.s32 @!p1 $0x1082;
	[sflag:s4] =	ssyncset.s32 $0xFFFFF086  }
0x25: {  	[simem:s6], [sflag:s4] =	dma.local [hbm:s3], $0xF7A  }
0x26: {  	[smem:$0x3F9B] =	sst s1;
	(tag) =	ssettag s2;
	_ =	strace s9  }
0x27: {  	s1 =	sld [smem:$0x3FAB]  }
0x28: {  	s2 =	sld [smem:$0x3FAC]  }
0x29: {  	s4 =	sld [smem:$0x3FAE]  }
0x2a: {  	p0 =	seq.s32 s5, $0x0;
	s5 =	sld [smem:$0x3FAF]  }
0x2b: {  	s6 =	sld [smem:$0x3FB0]  }
0x2c: {  	s7 =	sld [smem:$0x3FB1]  }
0x2d: {  	s3 =	simm.s32 $0x108;
	s8 =	sld [smem:$0x3FB2]  }
0x2e: {  	s3 =	simm.s32 @!p0 $0x1082;
	s9 =	sld [smem:$0x3FB3]  }
0x2f: {  	lr =	sadd.s32 s0, s3;
	s0 =	sld [smem:$0x3FAA]  }
0x30: {  	s3 =	sld [smem:$0x3FAD]  }
0x31: {  	[smem:$0x3FB6] =	sst s10  }
0x32: {  	s10 =	sld [smem:$0x3FB4];
	_ =	sdelay $0x3  }
0x33: {  	p0 =	seq.s32 s10, $0x1;
	s10 =	sld [smem:$0x3FB6];
	_ =	sdelay $0x3  }
0x34: {  	[smem:$0x3FB6] =	sst s10  }
0x35: {  	s10 =	sld [smem:$0x3FB5];
	_ =	sdelay $0x3  }
0x36: {  	p1 =	seq.s32 s10, $0x1;
	s10 =	sld [smem:$0x3FB6];
	_ =	sdelay $0x3  }
0x37: {  	[smem:$0x3FB6] =	sst s10  }
0x38: {  	s10 =	sld [smem:$0x3FB7]  }
0x39: {  	_ = 	snop;
	(pc) =	sbr.ind lr, $3  }
0x3a: {  	_ = 	snop  }
0x3b: {  	_ = 	snop  }
0x3c: {  	p2 =	seq.s32 s10, $0x1;
	s10 =	sld [smem:$0x3FB6]  }
0x3d: {  	_ =	shalt  }
0x3e: {  	_ =	shalt  }
0x3f: {  	_ =	shalt  }
0x40: {  	_ =	shalt  }
0x41: {  	_ =	shalt  }
0x42: {  	_ =	shalt  }
0x43: {  	_ =	shalt  }
0x44: {  	_ =	shalt  }
0x45: {  	_ =	shalt  }
0x46: {  	_ =	shalt  }
0x47: {  	_ =	shalt  }
0x48: {  	_ =	shalt  }
0x49: {  	_ =	shalt  }
0x4a: {  	_ =	shalt  }
0x4b: {  	_ =	shalt  }
0x4c: {  	_ =	shalt  }
0x4d: {  	_ =	shalt  }
0x4e: {  	_ =	shalt  }
0x4f: {  	_ =	shalt  }
0x50: {  	_ =	shalt  }
0x51: {  	_ =	shalt  }
0x52: {  	_ =	shalt  }
0x53: {  	_ =	shalt  }
0x54: {  	_ =	shalt  }
0x55: {  	_ =	shalt  }
0x56: {  	_ =	shalt  }
0x57: {  	_ =	shalt  }
0x58: {  	_ =	shalt  }
0x59: {  	_ =	shalt  }
0x5a: {  	_ =	shalt  }
0x5b: {  	_ =	shalt  }
0x5c: {  	_ =	shalt  }
0x5d: {  	_ =	shalt  }
0x5e: {  	_ =	shalt  }
0x5f: {  	_ =	shalt  }
0x60: {  	_ =	shalt  }
0x61: {  	_ =	shalt  }
0x62: {  	_ =	shalt  }
0x63: {  	_ =	shalt  }
0x64: {  	_ =	shalt  }
0x65: {  	_ =	shalt  }
0x66: {  	_ =	shalt  }
0x67: {  	_ =	shalt  }
0x68: {  	_ =	shalt  }
0x69: {  	_ =	shalt  }
0x6a: {  	_ =	shalt  }
0x6b: {  	_ =	shalt  }
0x6c: {  	_ =	shalt  }
0x6d: {  	_ =	shalt  }
0x6e: {  	_ =	shalt  }
0x6f: {  	_ =	shalt  }
0x70: {  	_ =	shalt  }
0x71: {  	_ =	shalt  }
0x72: {  	_ =	shalt  }
0x73: {  	_ =	shalt  }
0x74: {  	_ =	shalt  }
0x75: {  	_ =	shalt  }
0x76: {  	_ =	shalt  }
0x77: {  	_ =	shalt  }
0x78: {  	_ =	shalt  }
0x79: {  	_ =	shalt  }
0x7a: {  	_ =	shalt  }
0x7b: {  	_ =	shalt  }
0x7c: {  	_ =	shalt  }
0x7d: {  	_ =	shalt  }
0x7e: {  	_ =	shalt  }
0x7f: {  	_ =	shalt  }
0x80: {  	_ =	shalt  }
0x81: {  	_ =	shalt  }
0x82: {  	_ =	shalt  }
0x83: {  	_ =	shalt  }
0x84: {  	_ =	shalt  }
0x85: {  	_ =	shalt  }
0x86: {  	_ =	shalt  }
0x87: {  	_ =	shalt  }
.Lfunc_end0:
.L_simem_size_0:
called_computation.1_lowered:
.L_overlay_start_0:
0x88: {  	s2 =	sld [smem:$0x3FD9]  }
0x89: {  	s3 =	sld [smem:$0x3FFE];
	_ =	sdelay $0x1  }
0x8a: {  	s1 =	srdreg.scid  }
0x8b: {  	s0 =	sand.u32 $0x1, s1  }
0x8c: {  	s17 =	sshll.u32 s0, $0xA;
	s2 =	sadd.s32 s3, s2  }
0x8d: {  	s2 =	sadd.s32 s2, s17  }
0x8e: {  	[smem:$0x3FC2] =	sst s2  }
0x8f: {  	_ = 	snop  }
0x90: {  	s2 =	sld [smem:$0x3FD0];
	(tm) =	ssettm $0x1  }
0x91: {  	s18 =	sld [smem:$0x3FFB];
	_ =	sdelay $0x3  }
0x92: {  	_ =	strace s18  }
0x93: {  	s3 =	sld [smem:$0x3FFC];
	_ =	sdelay $0x3  }
0x94: {  	_ =	strace s3  }
0x95: {  	s3 =	sld [smem:$0x3FFD];
	_ =	sdelay $0x3  }
0x96: {  	_ =	strace s3  }
0x97: {  	_ =	strace $0x8FFFFFFF  }
0x98: {  	s19 =	sld [smem:$0x3FDB];
	_ =	sdelay $0x1  }
0x99: {  	s4 =	simm.s32 $_scs_section_size  }
0x9a: {  	s5 =	simm.s32 $_size__tile_overlayer_lowered;
	s6 =	simm.s32 $_tile_overlayer_lowered  }
0x9b: {  	s22 =	simm.s32 $0x1BFF;
	s21 =	sshll.u32 s6, $0x1;
	s3 =	sadd.s32 s4, s19  }
0x9c: {  	s7 =	simm.s32 $0x0;
	s20 =	sshll.u32 s5, $0x1;
	s5 =	sadd.s32 s21, s3  }
0x9d: {  	[timem:s7], [sflag:s22] =	dma.local [hbm:s5], s20  }
0x9e: {  	_ =	swait.ge [sflag:s22], s20  }
0x9f: {  	s4 =	ssub.s32 $0x0, s20;
	[sflag:s22] =	ssyncset.done $0x0  }
0xa0: {  	[sflag:s22] =	ssyncadd.s32 s4;
	_ =	sdelay $0x1  }
0xa1: {  	s23 =	simm.s32 $0x1B8B  }
0xa2: {  	_ =	swait.ge [sflag:s23], $0x1  }
0xa3: {  	[sflag:s23] =	ssyncset.done $0x0  }
0xa4: {  	s25 =	simm.s32 $0x1B8E;
	s24 =	sld [smem:$0x3FFE];
	[sflag:s23] =	ssyncadd.s32 $0xFFFFFFFF  }
0xa5: {  	s26 =	simm.s32 $execute0_lowered;
	[smem:$0x3FD2] =	sst s25  }
0xa6: {  	s5 =	sshll.u32 s26, $0x1;
	_ =	strace $0x80000049;
	[dreg:$0x1] =	wrdreg $0xFFFFFFFF  }
0xa7: {  	s28 =	simm.s32 $_size_execute0_lowered;
	s3 =	sadd.s32 s3, s5;
	[dreg:$0x0] =	wrdreg $0x0  }
0xa8: {  	s5 =	sshll.u32 s28, $0x1;
	[dreg:$0x2] =	wrdreg s3  }
0xa9: {  	[dreg:$0x3] =	wrdreg s5  }
0xaa: {  	[dreg:$0x4] =	wrdreg $0xC0  }
0xab: {  	_ =	task [dreg:s7], $0x5FFFF  }
0xac: {  	[dreg:$0x1] =	wrdreg $0xFFFFFFFF  }
0xad: {  	[dreg:$0x0] =	wrdreg $0x60  }
0xae: {  	[dreg:$0x2] =	wrdreg s24  }
0xaf: {  	[dreg:$0x3] =	wrdreg s2  }
0xb0: {  	[dreg:$0x4] =	wrdreg $0x9  }
0xb1: {  	_ =	task.clear_ibuf [dreg:s7], $0x5FFFF;
	_ =	strace $0x90000049  }
0xb2: {  	s29 =	simm.s32 $0x9;
	_ =	strace $0x8000004B  }
0xb3: {  	_ =	swait.ge [sflag:s29], $0x1  }
0xb4: {  	[sflag:s29] =	ssyncadd.s32 $0xFFFFFFFF  }
0xb5: {  	_ =	strace $0x9000004B  }
0xb6: {  	_ =	sfence  }
0xb7: {  	s30 =	sld [smem:$0x0];
	_ =	sdelay $0x2  }
0xb8: {  	s31 =	sshll.u32 s1, $0xD;
	s1 =	sshrl.u32 s1, $0x2  }
0xb9: {  	s3 =	sand.u32 $0x4000, s31;
	s1 =	sadd.s32 s1, s30  }
0xba: {  	s0 =	sor.u32 s3, s0;
	s1 =	sshll.u32 s1, $0x11  }
0xbb: {  	s0 =	sor.u32 s1, s0  }
0xbc: {  	s0 =	sadd.s32 $0x8F2B, s0  }
0xbd: {  	[sflag:s0] =	ssyncadd.remote.s32 $0x1  }
0xbe: {  	_ =	sfence.sel $0xFFFF  }
0xbf: {  	[dreg:$0x0] =	wrdreg $0xFFFFFFFF;
	(pc) =	sbr.abs _section_cstart, $3  }
0xc0: {  	[dreg:$0x1] =	wrdreg $0xFFFFFFFF  }
0xc1: {  	_ =	task.clear_ibuf [dreg:s7], $0x2FFFF;
	_ =	strace $0x9FFFFFFF  }
0xc2: {  	(tm) =	ssettm $0x7FFFFFFF  }
0xc3: {  	_ =	shalt  }
tec
execute0_lowered:
.L_overlay_start_1:
0x0: {  	(tag) =	ssettag $0x1  }
0x1: {  	s2 =	srdreg.scid;
	s1 =	rddreg [dreg:$0x0]  }
0x2: {  	s3 =	rddreg [dreg:$0x1];
	s4 =	sand.u32 $0x1, s2;
	s2 =	simm.s32 $0x0  }
0x3: {  	s0 =	stileid.u32;
	s25 =	simm.s32 $0x880;
	[smem:$0x7FF] =	sst s2  }
0x4: {  	s26 =	simm.s32 $0x1080;
	_ =	strace $0x8000004A;
	[dreg:$0x5] =	wrdreg s25  }
0x5: {  	s5 =	sshll.u32 s0, $0x5;
	s0 =	simm.s32 $0x1880;
	[dreg:$0x6] =	wrdreg s26  }
0x6: {  	s7 =	simm.s32 $0x3080;
	[dreg:$0x7] =	wrdreg s0  }
0x7: {  	s8 =	simm.s32 $0x3880;
	[dreg:$0xa] =	wrdreg s7  }
0x8: {  	s9 =	simm.s32 $0x4080;
	[dreg:$0xb] =	wrdreg s8  }
0x9: {  	s10 =	simm.s32 $0x4880;
	[dreg:$0xc] =	wrdreg s9  }
0xa: {  	s11 =	simm.s32 $0x5080;
	[dreg:$0xd] =	wrdreg s10  }
0xb: {  	s12 =	simm.s32 $0x5880;
	[dreg:$0xe] =	wrdreg s11  }
0xc: {  	s13 =	simm.s32 $0x6080;
	[dreg:$0xf] =	wrdreg s12  }
0xd: {  	s14 =	simm.s32 $0x6880;
	[dreg:$0x10] =	wrdreg s13  }
0xe: {  	s15 =	simm.s32 $0x7080;
	[dreg:$0x11] =	wrdreg s14  }
0xf: {  	s16 =	simm.s32 $0x7880;
	s17 =	simm.s32 $0x8080;
	[dreg:$0x12] =	wrdreg s15  }
0x10: {  	s18 =	simm.s32 $0x8880;
	s19 =	simm.s32 $0x9080;
	[dreg:$0x13] =	wrdreg s16  }
0x11: {  	s21 =	simm.s32 $0x9880;
	s22 =	simm.s32 $0xA080;
	[dreg:$0x14] =	wrdreg s17  }
0x12: {  	s23 =	simm.s32 $0xB080;
	s24 =	simm.s32 $0xB880;
	[dreg:$0x15] =	wrdreg s18  }
0x13: {  	s28 =	simm.s32 $0x16080;
	s29 =	simm.s32 $0x16880;
	[dreg:$0x16] =	wrdreg s19  }
0x14: {  	s30 =	simm.s32 $0x17080;
	s31 =	simm.s32 $0x17880;
	[dreg:$0x17] =	wrdreg s21  }
0x15: {  	s6 =	sshll.u32 s4, $0x4;
	s4 =	ssub.s32 $0x2, s4;
	[dreg:$0x18] =	wrdreg s22  }
0x16: {  	s5 =	sor.u32 s6, s5;
	s20 =	sshrl.u32 s4, $0x1;
	[dreg:$0x1a] =	wrdreg s23  }
0x17: {  	s7 =	simm.s32 $0xA880;
	[dreg:$0x1b] =	wrdreg s24;
	s25 =	simm.s32 $0xC080  }
0x18: {  	s8 =	simm.s32 $0x80;
	s26 =	simm.s32 $0xC880;
	s10 =	simm.s32 $0xD880  }
0x19: {  	s11 =	simm.s32 $0xE080;
	s12 =	simm.s32 $0xE880;
	s13 =	simm.s32 $0xF080  }
0x1a: {  	s14 =	simm.s32 $0xF880;
	s15 =	simm.s32 $0x10080;
	s16 =	simm.s32 $0x10880  }
0x1b: {  	s17 =	simm.s32 $0x11080;
	s18 =	simm.s32 $0x11880;
	s19 =	simm.s32 $0x12080  }
0x1c: {  	s21 =	simm.s32 $0x13080;
	s22 =	simm.s32 $0x13880;
	[dreg:$0x19] =	wrdreg s7  }
0x1d: {  	s6 =	sadd.s32 s5, s1;
	s5 =	smul.u32 $0x300, s5;
	[dreg:$0x1c] =	wrdreg s25  }
0x1e: {  	s23 =	simm.s32 $0x14080;
	[dreg:$0x1d] =	wrdreg s26;
	s6 =	sadd.s32 $0x11600, s6  }
0x1f: {  	s24 =	simm.s32 $0x14880;
	[dreg:$0x3] =	wrdreg s6;
	s3 =	sadd.s32 s3, s5  }
0x20: {  	s7 =	simm.s32 $0x2;
	s5 =	simm.s32 $0x2080;
	[dreg:$0x4] =	wrdreg s3  }
0x21: {  	s25 =	simm.s32 $0x15080;
	s6 =	simm.s32 $0x2880;
	[dreg:$0x8] =	wrdreg s5  }
0x22: {  	v2 =	vlaneseq.u32;
	s26 =	simm.s32 $0x15880;
	[dreg:$0x9] =	wrdreg s6;
	s3 =	sadd.s32 $0x11800, s1  }
0x23: {  	vm0 =	vmmov $0xffff;
	v1 =	vshrl.u32 v2, $0x3;
	s6 =	ssub.s32 s4, s20;
	s4 =	sadd.s32 $0x11900, s1;
	s5 =	sadd.s32 $0x11A00, s1  }
0x24: {  	v0 =	vand.u32 $0x7, v2;
	v2 =	vor.u32 $0x8, v2;
	v1 =	vmul.u32 $0x8, v1;
	s20 =	simm.s32 $0x12880;
	s1 =	simm.s32 $0x1;
	s6 =	smax.u32 s6, $0x1  }
.LBB2_1:
0x25: {  	s0 =	rddreg [dreg:$0x3]  }
0x26: {  	[tilespmem:s2], [sflag:$0x2] =	stream.linear.gather [hbm4b:s0+s2], $0x80, $0x38;
	[tilespmem:$0x18080] =	vst v63  }
0x27: {  	_ =	swait.ge [sflag:s7], $0x80  }
0x28: {  	[sflag:s7] =	ssyncset.done $0x0  }
0x29: {  	[sflag:s7] =	ssyncadd.s32 $0xFFFFFF80  }
0x2a: {  	v3 =	vld [tilespmem:$0x0];
	_ =	sdelay $0x4  }
0x2b: {  	v4 =	vshrl.u32 v3, $0x3  }
0x2c: {  	v4 =	vmul.u32 $0x30, v4  }
0x2d: {  	v3 =	vand.u32 $0x7, v3  }
0x2e: {  	v3 =	vor.u32 v3, v4  }
0x2f: {  	v4 =	vperm.xlane v3, v0;
	_ =	sdelay $0x1  }
0x30: {  	v4 =	vadd.s32 v1, v4;
	_ =	sdelay $0x3  }
0x31: {  	v3 =	vperm.xlane v3, v2  }
0x32: {  	[tilespmem:s8], [sflag:$0x1] =	stream.indirect_vreg.gather [hbm4b:s3+s2], $0x80, v4, vm0, $0xb8;
	[tilespmem:$0x18080] =	vst v63  }
0x33: {  	s0 =	rddreg [dreg:$0x5];
	v3 =	vadd.s32 v1, v3  }
0x34: {  	[tilespmem:s0], [sflag:$0x1] =	stream.indirect_vreg.gather [hbm4b:s4+s2], $0x80, v4, vm0, $0xb8;
	[tilespmem:$0x18080] =	vst v63  }
0x35: {  	s9 =	rddreg [dreg:$0x6]  }
0x36: {  	[tilespmem:s9], [sflag:$0x1] =	stream.indirect_vreg.gather [hbm4b:s5+s2], $0x80, v4, vm0, $0xb8;
	[tilespmem:$0x18080] =	vst v63  }
0x37: {  	s0 =	rddreg [dreg:$0x7]  }
0x38: {  	[tilespmem:s0], [sflag:$0x1] =	stream.indirect_vreg.gather [hbm4b:s3+s2], $0x80, v3, vm0, $0xb8;
	[tilespmem:$0x18080] =	vst v63  }
0x39: {  	s9 =	rddreg [dreg:$0x8]  }
0x3a: {  	[tilespmem:s9], [sflag:$0x1] =	stream.indirect_vreg.gather [hbm4b:s4+s2], $0x80, v3, vm0, $0xb8;
	[tilespmem:$0x18080] =	vst v63  }
0x3b: {  	s0 =	rddreg [dreg:$0x9]  }
0x3c: {  	[tilespmem:s0], [sflag:$0x1] =	stream.indirect_vreg.gather [hbm4b:s5+s2], $0x80, v3, vm0, $0xb8;
	[tilespmem:$0x18080] =	vst v63  }
0x3d: {  	v3 =	vld [tilespmem:$0x10];
	_ =	sdelay $0x4  }
0x3e: {  	v57 =	vshrl.u32 v3, $0x3  }
0x3f: {  	v4 =	vmul.u32 $0x30, v57  }
0x40: {  	v3 =	vand.u32 $0x7, v3  }
0x41: {  	v3 =	vor.u32 v3, v4  }
0x42: {  	v4 =	vperm.xlane v3, v0;
	_ =	sdelay $0x1  }
0x43: {  	v4 =	vadd.s32 v1, v4;
	_ =	sdelay $0x3  }
0x44: {  	s0 =	rddreg [dreg:$0xa];
	v3 =	vperm.xlane v3, v2  }
0x45: {  	[tilespmem:s0], [sflag:$0x1] =	stream.indirect_vreg.gather [hbm4b:s3+s2], $0x80, v4, vm0, $0xb8;
	[tilespmem:$0x18080] =	vst v63  }
0x46: {  	s9 =	rddreg [dreg:$0xb];
	v3 =	vadd.s32 v1, v3  }
0x47: {  	[tilespmem:s9], [sflag:$0x1] =	stream.indirect_vreg.gather [hbm4b:s4+s2], $0x80, v4, vm0, $0xb8;
	[tilespmem:$0x18080] =	vst v63  }
0x48: {  	s0 =	rddreg [dreg:$0xc]  }
0x49: {  	[tilespmem:s0], [sflag:$0x1] =	stream.indirect_vreg.gather [hbm4b:s5+s2], $0x80, v4, vm0, $0xb8;
	[tilespmem:$0x18080] =	vst v63  }
0x4a: {  	s9 =	rddreg [dreg:$0xd]  }
0x4b: {  	[tilespmem:s9], [sflag:$0x1] =	stream.indirect_vreg.gather [hbm4b:s3+s2], $0x80, v3, vm0, $0xb8;
	[tilespmem:$0x18080] =	vst v63  }
0x4c: {  	s0 =	rddreg [dreg:$0xe]  }
0x4d: {  	[tilespmem:s0], [sflag:$0x1] =	stream.indirect_vreg.gather [hbm4b:s4+s2], $0x80, v3, vm0, $0xb8;
	[tilespmem:$0x18080] =	vst v63  }
0x4e: {  	s9 =	rddreg [dreg:$0xf]  }
0x4f: {  	[tilespmem:s9], [sflag:$0x1] =	stream.indirect_vreg.gather [hbm4b:s5+s2], $0x80, v3, vm0, $0xb8;
	[tilespmem:$0x18080] =	vst v63  }
0x50: {  	v3 =	vld [tilespmem:$0x20];
	_ =	sdelay $0x4  }
0x51: {  	v58 =	vshrl.u32 v3, $0x3  }
0x52: {  	v4 =	vmul.u32 $0x30, v58  }
0x53: {  	v3 =	vand.u32 $0x7, v3  }
0x54: {  	v3 =	vor.u32 v3, v4  }
0x55: {  	v4 =	vperm.xlane v3, v0;
	_ =	sdelay $0x1  }
0x56: {  	v4 =	vadd.s32 v1, v4;
	_ =	sdelay $0x3  }
0x57: {  	s0 =	rddreg [dreg:$0x10];
	v3 =	vperm.xlane v3, v2  }
0x58: {  	[tilespmem:s0], [sflag:$0x1] =	stream.indirect_vreg.gather [hbm4b:s3+s2], $0x80, v4, vm0, $0xb8;
	[tilespmem:$0x18080] =	vst v63  }
0x59: {  	s9 =	rddreg [dreg:$0x11];
	v3 =	vadd.s32 v1, v3  }
0x5a: {  	[tilespmem:s9], [sflag:$0x1] =	stream.indirect_vreg.gather [hbm4b:s4+s2], $0x80, v4, vm0, $0xb8;
	[tilespmem:$0x18080] =	vst v63  }
0x5b: {  	s0 =	rddreg [dreg:$0x12]  }
0x5c: {  	[tilespmem:s0], [sflag:$0x1] =	stream.indirect_vreg.gather [hbm4b:s5+s2], $0x80, v4, vm0, $0xb8;
	[tilespmem:$0x18080] =	vst v63  }
0x5d: {  	s9 =	rddreg [dreg:$0x13]  }
0x5e: {  	[tilespmem:s9], [sflag:$0x1] =	stream.indirect_vreg.gather [hbm4b:s3+s2], $0x80, v3, vm0, $0xb8;
	[tilespmem:$0x18080] =	vst v63  }
0x5f: {  	s0 =	rddreg [dreg:$0x14]  }
0x60: {  	[tilespmem:s0], [sflag:$0x1] =	stream.indirect_vreg.gather [hbm4b:s4+s2], $0x80, v3, vm0, $0xb8;
	[tilespmem:$0x18080] =	vst v63  }
0x61: {  	s9 =	rddreg [dreg:$0x15]  }
0x62: {  	[tilespmem:s9], [sflag:$0x1] =	stream.indirect_vreg.gather [hbm4b:s5+s2], $0x80, v3, vm0, $0xb8;
	[tilespmem:$0x18080] =	vst v63  }
0x63: {  	v3 =	vld [tilespmem:$0x30];
	_ =	sdelay $0x4  }
0x64: {  	v59 =	vshrl.u32 v3, $0x3  }
0x65: {  	v4 =	vmul.u32 $0x30, v59  }
0x66: {  	v3 =	vand.u32 $0x7, v3  }
0x67: {  	v3 =	vor.u32 v3, v4  }
0x68: {  	v4 =	vperm.xlane v3, v0;
	_ =	sdelay $0x1  }
0x69: {  	v4 =	vadd.s32 v1, v4;
	_ =	sdelay $0x3  }
0x6a: {  	s0 =	rddreg [dreg:$0x16];
	v3 =	vperm.xlane v3, v2  }
0x6b: {  	[tilespmem:s0], [sflag:$0x1] =	stream.indirect_vreg.gather [hbm4b:s3+s2], $0x80, v4, vm0, $0xb8;
	[tilespmem:$0x18080] =	vst v63  }
0x6c: {  	s9 =	rddreg [dreg:$0x17];
	v3 =	vadd.s32 v1, v3  }
0x6d: {  	[tilespmem:s9], [sflag:$0x1] =	stream.indirect_vreg.gather [hbm4b:s4+s2], $0x80, v4, vm0, $0xb8;
	[tilespmem:$0x18080] =	vst v63  }
0x6e: {  	s0 =	rddreg [dreg:$0x18]  }
0x6f: {  	[tilespmem:s0], [sflag:$0x1] =	stream.indirect_vreg.gather [hbm4b:s5+s2], $0x80, v4, vm0, $0xb8;
	[tilespmem:$0x18080] =	vst v63  }
0x70: {  	s9 =	rddreg [dreg:$0x19]  }
0x71: {  	[tilespmem:s9], [sflag:$0x1] =	stream.indirect_vreg.gather [hbm4b:s3+s2], $0x80, v3, vm0, $0xb8;
	[tilespmem:$0x18080] =	vst v63  }
0x72: {  	s0 =	rddreg [dreg:$0x1a]  }
0x73: {  	[tilespmem:s0], [sflag:$0x1] =	stream.indirect_vreg.gather [hbm4b:s4+s2], $0x80, v3, vm0, $0xb8;
	[tilespmem:$0x18080] =	vst v63  }
0x74: {  	s9 =	rddreg [dreg:$0x1b]  }
0x75: {  	[tilespmem:s9], [sflag:$0x1] =	stream.indirect_vreg.gather [hbm4b:s5+s2], $0x80, v3, vm0, $0xb8;
	[tilespmem:$0x18080] =	vst v63  }
0x76: {  	v3 =	vld [tilespmem:$0x40];
	_ =	sdelay $0x4  }
0x77: {  	v60 =	vshrl.u32 v3, $0x3  }
0x78: {  	v4 =	vmul.u32 $0x30, v60  }
0x79: {  	v3 =	vand.u32 $0x7, v3  }
0x7a: {  	v3 =	vor.u32 v3, v4  }
0x7b: {  	v4 =	vperm.xlane v3, v0;
	_ =	sdelay $0x1  }
0x7c: {  	v4 =	vadd.s32 v1, v4;
	_ =	sdelay $0x3  }
0x7d: {  	s0 =	rddreg [dreg:$0x1c];
	v3 =	vperm.xlane v3, v2  }
0x7e: {  	[tilespmem:s0], [sflag:$0x1] =	stream.indirect_vreg.gather [hbm4b:s3+s2], $0x80, v4, vm0, $0xb8;
	[tilespmem:$0x18080] =	vst v63  }
0x7f: {  	s9 =	rddreg [dreg:$0x1d];
	v3 =	vadd.s32 v1, v3  }
0x80: {  	[tilespmem:s9], [sflag:$0x1] =	stream.indirect_vreg.gather [hbm4b:s4+s2], $0x80, v4, vm0, $0xb8;
	[tilespmem:$0x18080] =	vst v63  }
0x81: {  	s9 =	simm.s32 $0xD080  }
0x82: {  	[tilespmem:s9], [sflag:$0x1] =	stream.indirect_vreg.gather [hbm4b:s5+s2], $0x80, v4, vm0, $0xb8;
	[tilespmem:$0x18080] =	vst v63  }
0x83: {  	_ = 	snop  }
0x84: {  	[tilespmem:s10], [sflag:$0x1] =	stream.indirect_vreg.gather [hbm4b:s3+s2], $0x80, v3, vm0, $0xb8;
	[tilespmem:$0x18080] =	vst v63  }
0x85: {  	_ = 	snop  }
0x86: {  	[tilespmem:s11], [sflag:$0x1] =	stream.indirect_vreg.gather [hbm4b:s4+s2], $0x80, v3, vm0, $0xb8;
	[tilespmem:$0x18080] =	vst v63  }
0x87: {  	_ = 	snop  }
0x88: {  	[tilespmem:s12], [sflag:$0x1] =	stream.indirect_vreg.gather [hbm4b:s5+s2], $0x80, v3, vm0, $0xb8;
	[tilespmem:$0x18080] =	vst v63  }
0x89: {  	v3 =	vld [tilespmem:$0x50];
	_ =	sdelay $0x4  }
0x8a: {  	v61 =	vshrl.u32 v3, $0x3  }
0x8b: {  	v4 =	vmul.u32 $0x30, v61  }
0x8c: {  	v3 =	vand.u32 $0x7, v3  }
0x8d: {  	v3 =	vor.u32 v3, v4  }
0x8e: {  	v4 =	vperm.xlane v3, v0;
	_ =	sdelay $0x1  }
0x8f: {  	v4 =	vadd.s32 v1, v4;
	_ =	sdelay $0x3  }
0x90: {  	v3 =	vperm.xlane v3, v2  }
0x91: {  	[tilespmem:s13], [sflag:$0x1] =	stream.indirect_vreg.gather [hbm4b:s3+s2], $0x80, v4, vm0, $0xb8;
	[tilespmem:$0x18080] =	vst v63  }
0x92: {  	v3 =	vadd.s32 v1, v3  }
0x93: {  	[tilespmem:s14], [sflag:$0x1] =	stream.indirect_vreg.gather [hbm4b:s4+s2], $0x80, v4, vm0, $0xb8;
	[tilespmem:$0x18080] =	vst v63  }
0x94: {  	_ = 	snop  }
0x95: {  	[tilespmem:s15], [sflag:$0x1] =	stream.indirect_vreg.gather [hbm4b:s5+s2], $0x80, v4, vm0, $0xb8;
	[tilespmem:$0x18080] =	vst v63  }
0x96: {  	_ = 	snop  }
0x97: {  	[tilespmem:s16], [sflag:$0x1] =	stream.indirect_vreg.gather [hbm4b:s3+s2], $0x80, v3, vm0, $0xb8;
	[tilespmem:$0x18080] =	vst v63  }
0x98: {  	_ = 	snop  }
0x99: {  	[tilespmem:s17], [sflag:$0x1] =	stream.indirect_vreg.gather [hbm4b:s4+s2], $0x80, v3, vm0, $0xb8;
	[tilespmem:$0x18080] =	vst v63  }
0x9a: {  	_ = 	snop  }
0x9b: {  	[tilespmem:s18], [sflag:$0x1] =	stream.indirect_vreg.gather [hbm4b:s5+s2], $0x80, v3, vm0, $0xb8;
	[tilespmem:$0x18080] =	vst v63  }
0x9c: {  	v3 =	vld [tilespmem:$0x60];
	_ =	sdelay $0x4  }
0x9d: {  	v62 =	vshrl.u32 v3, $0x3  }
0x9e: {  	v4 =	vmul.u32 $0x30, v62  }
0x9f: {  	v3 =	vand.u32 $0x7, v3  }
0xa0: {  	v3 =	vor.u32 v3, v4  }
0xa1: {  	v4 =	vperm.xlane v3, v0;
	_ =	sdelay $0x1  }
0xa2: {  	v4 =	vadd.s32 v1, v4;
	_ =	sdelay $0x3  }
0xa3: {  	v3 =	vperm.xlane v3, v2  }
0xa4: {  	[tilespmem:s19], [sflag:$0x1] =	stream.indirect_vreg.gather [hbm4b:s3+s2], $0x80, v4, vm0, $0xb8;
	[tilespmem:$0x18080] =	vst v63  }
0xa5: {  	v3 =	vadd.s32 v1, v3  }
0xa6: {  	[tilespmem:s20], [sflag:$0x1] =	stream.indirect_vreg.gather [hbm4b:s4+s2], $0x80, v4, vm0, $0xb8;
	[tilespmem:$0x18080] =	vst v63  }
0xa7: {  	_ = 	snop  }
0xa8: {  	[tilespmem:s21], [sflag:$0x1] =	stream.indirect_vreg.gather [hbm4b:s5+s2], $0x80, v4, vm0, $0xb8;
	[tilespmem:$0x18080] =	vst v63  }
0xa9: {  	_ = 	snop  }
0xaa: {  	[tilespmem:s22], [sflag:$0x1] =	stream.indirect_vreg.gather [hbm4b:s3+s2], $0x80, v3, vm0, $0xb8;
	[tilespmem:$0x18080] =	vst v63  }
0xab: {  	_ = 	snop  }
0xac: {  	[tilespmem:s23], [sflag:$0x1] =	stream.indirect_vreg.gather [hbm4b:s4+s2], $0x80, v3, vm0, $0xb8;
	[tilespmem:$0x18080] =	vst v63  }
0xad: {  	_ = 	snop  }
0xae: {  	[tilespmem:s24], [sflag:$0x1] =	stream.indirect_vreg.gather [hbm4b:s5+s2], $0x80, v3, vm0, $0xb8;
	[tilespmem:$0x18080] =	vst v63  }
0xaf: {  	v3 =	vld [tilespmem:$0x70];
	_ =	sdelay $0x4  }
0xb0: {  	v63 =	vshrl.u32 v3, $0x3  }
0xb1: {  	v4 =	vmul.u32 $0x30, v63  }
0xb2: {  	v3 =	vand.u32 $0x7, v3  }
0xb3: {  	v3 =	vor.u32 v3, v4  }
0xb4: {  	v4 =	vperm.xlane v3, v0;
	_ =	sdelay $0x1  }
0xb5: {  	v4 =	vadd.s32 v1, v4;
	_ =	sdelay $0x3  }
0xb6: {  	v3 =	vperm.xlane v3, v2  }
0xb7: {  	[tilespmem:s25], [sflag:$0x1] =	stream.indirect_vreg.gather [hbm4b:s3+s2], $0x80, v4, vm0, $0xb8;
	[tilespmem:$0x18080] =	vst v63  }
0xb8: {  	v3 =	vadd.s32 v1, v3  }
0xb9: {  	[tilespmem:s26], [sflag:$0x1] =	stream.indirect_vreg.gather [hbm4b:s4+s2], $0x80, v4, vm0, $0xb8;
	[tilespmem:$0x18080] =	vst v63  }
0xba: {  	_ = 	snop  }
0xbb: {  	[tilespmem:s28], [sflag:$0x1] =	stream.indirect_vreg.gather [hbm4b:s5+s2], $0x80, v4, vm0, $0xb8;
	[tilespmem:$0x18080] =	vst v63  }
0xbc: {  	_ = 	snop  }
0xbd: {  	[tilespmem:s29], [sflag:$0x1] =	stream.indirect_vreg.gather [hbm4b:s3+s2], $0x80, v3, vm0, $0xb8;
	[tilespmem:$0x18080] =	vst v63  }
0xbe: {  	_ = 	snop  }
0xbf: {  	[tilespmem:s30], [sflag:$0x1] =	stream.indirect_vreg.gather [hbm4b:s4+s2], $0x80, v3, vm0, $0xb8;
	[tilespmem:$0x18080] =	vst v63  }
0xc0: {  	_ = 	snop  }
0xc1: {  	[tilespmem:s31], [sflag:$0x1] =	stream.indirect_vreg.gather [hbm4b:s5+s2], $0x80, v3, vm0, $0xb8;
	[tilespmem:$0x18080] =	vst v63  }
0xc2: {  	_ =	swait.ge [sflag:s1], $0x18000  }
0xc3: {  	p0 =	sne.s32 s6, $0x1;
	[sflag:s1] =	ssyncset.done $0x0  }
.Ltmp0:
0xc4: {  	s9 =	rddreg [dreg:$0x4];
	[sflag:s1] =	ssyncadd.s32 $0xFFFE8000;
	(pc) =	sbr.rel @p0 .LBB2_1-.Ltmp0, $4  }
0xc5: {  	[hbm4b:s9+s2] =	stream.linear.scatter [tilespmem:s8], [sflag:$0x2], $0x18000, $0x38;
	[tilespmem:$0x18080] =	vst v63  }
0xc6: {  	_ =	swait.ge [sflag:s7], $0x18000  }
0xc7: {  	[sflag:s7] =	ssyncset.done $0x0  }
0xc8: {  	s6 =	sadd.s32 $0xFFFFFFFF, s6;
	[sflag:s7] =	ssyncadd.s32 $0xFFFE8000  }
0xc9: {  	_ =	sfence.sel $0x180000  }
0xca: {  	[bflag:$0x0] =	sbarrier.arrive $0xFFFF  }
0xcb: {  	_ =	strace $0x9000004A  }
0xcc: {  	s0 =	stileid.u32;
	[bflag:$0x2] =	sbarrier.arrive $0xFFFF  }
0xcd: {  	p0 =	sne.s32 s0, $0x0;
	s0 =	rddreg [dreg:$0x2]  }
0xce: {  	s0 =	sadd.s32 @!p0 $0x100000, s0  }
0xcf: {  	[sflag:s0] =	ssyncadd.tile.s32 @!p0 $0x1;
	_ =	shalt  }
.Lfunc_end2:
_tile_overlayer_lowered:
.L_overlay_start_2:
0xd0: {  	(tag) =	ssettag $0x2  }
0xd1: {  	s0 =	rddreg [dreg:$0x0];
	s2 =	stileid.u32  }
0xd2: {  	s1 =	rddreg [dreg:$0x1];
	p0 =	sne.s32 s2, $0x0  }
0xd3: {  	s3 =	rddreg [dreg:$0x2];
	[bflag:$0x3] =	sbarrier.arrive $0xFFFF;
	s2 =	simm.s32 @!p0 $0x1C02  }
0xd4: {  	[timem:s3], [sflag:s2] =	dma.local @!p0 [hbm:s0], s1  }
0xd5: {  	s0 =	simm.s32 @!p0 $0x2  }
0xd6: {  	_ =	swait.ge @!p0 [sflag:s0], s1  }
0xd7: {  	s1 =	ssub.s32 @!p0 $0x0, s1;
	[sflag:s0] =	ssyncset.done @!p0 $0x0  }
0xd8: {  	[sflag:s0] =	ssyncadd.s32 @!p0 s1  }
0xd9: {  	[bflag:$0x3] =	sbarrier.arrive $0xFFFF  }
0xda: {  	_ =	shalt  }

</sc_bundles>
